<compile_context>
chip_gen: v7x
topology: tpu7x:2x2x1
jax: 0.10.2.dev20260603
libtpu: 0.0.44.dev20260713+nightly
codegen_flags: <defaults>
</compile_context>

<pallas_src>
import functools

import jax
import jax.numpy as jnp
from jax import lax
from jax.experimental import pallas as pl
from jax.experimental.pallas import tpu as pltpu
from jax.experimental.pallas import tpu_sc as plsc

N = 10000
D = 128
E = 320000

NC = 2
NS = 16
NW = NC * NS
K = 128
EPT = -(-E // (NW * K)) * K
EPAD = EPT * NW
NIT = EPT // K
NP = 10240
RPT = NP // NS
DW = 16

NIT0 = 95
NIT1 = NIT * 2 - NIT0
IB = 8
NITD = 80
EPADD = NITD * K * NW
NBLKSD = NITD // IB

R = 2000
NBLK = N // R


def _sc_mesh():
    return plsc.VectorSubcoreMesh(core_axis_name="c", subcore_axis_name="s")


@functools.partial(
    pl.kernel,
    mesh=_sc_mesh(),
    out_type=jax.ShapeDtypeStruct((2, NP), jnp.float32),
    scratch_types=[
        pltpu.VMEM((K,), jnp.float32),
        pltpu.VMEM((RPT,), jnp.float32),
        pltpu.VMEM((IB, K), jnp.int32),
        pltpu.VMEM_SHARED((NP,), jnp.float32),
        pltpu.SemaphoreType.DMA,
    ],
)
def _deg_kernel(dst2d_hbm, out_hbm, ones_v, zero_v, idx_v, acc_sh, sem):
    cid = lax.axis_index("c")
    sid = lax.axis_index("s")
    wid = cid * NS + sid
    for j in range(K // 16):
        ones_v[pl.ds(j * 16, 16)] = jnp.full((16,), 1.0, jnp.float32)
    for j in range(RPT // 16):
        zero_v[pl.ds(j * 16, 16)] = jnp.zeros((16,), jnp.float32)
    pltpu.sync_copy(zero_v, acc_sh.at[pl.ds(sid * RPT, RPT)])
    plsc.subcore_barrier()

    @pl.loop(0, NBLKSD)
    def _blk(g):
        row0 = pl.multiple_of(wid * NITD + g * IB, IB)
        pltpu.sync_copy(dst2d_hbm.at[pl.ds(row0, IB)], idx_v)
        descs = [
            pltpu.async_copy(ones_v, acc_sh.at[idx_v.at[j]], sem, add=True)
            for j in range(IB)
        ]
        for d in descs:
            d.wait()

    plsc.subcore_barrier()
    pltpu.sync_copy(acc_sh.at[pl.ds(sid * RPT, RPT)],
                    out_hbm.at[cid, pl.ds(sid * RPT, RPT)])


@functools.partial(
    pl.kernel,
    mesh=_sc_mesh(),
    out_type=jax.ShapeDtypeStruct((2, NP, D), jnp.float32),
    scratch_types=[
        pltpu.VMEM((K, D), jnp.float32),
        pltpu.VMEM((K, D), jnp.float32),
        pltpu.VMEM((K,), jnp.int32),
        pltpu.VMEM((K,), jnp.int32),
        pltpu.VMEM((K,), jnp.int32),
        pltpu.VMEM((K,), jnp.int32),
        pltpu.VMEM_SHARED((NP, D), jnp.float32),
        pltpu.SemaphoreType.DMA,
        pltpu.SemaphoreType.DMA,
    ],
)
def _msg_kernel(src_hbm, dst_hbm, h_hbm, out_hbm,
                rows0, rows1, isrc0, idst0, isrc1, idst1, acc_sh,
                gsem0, gsem1):
    cid = lax.axis_index("c")
    sid = lax.axis_index("s")
    wid = cid * NS + sid
    @pl.loop(0, K)
    def _zrow(i):
        for j in range(D // 16):
            rows0[i, pl.ds(j * 16, 16)] = jnp.zeros((16,), jnp.float32)

    for j in range(RPT // K):
        pltpu.sync_copy(rows0, acc_sh.at[pl.ds(sid * RPT + j * K, K)])
    plsc.subcore_barrier()
    nit = jnp.where(cid == 0, NIT0, NIT1)
    start = jnp.where(cid == 0, sid * NIT0, NS * NIT0 + sid * NIT1) * K

    def body(g, carry):
        base0 = pl.multiple_of(start + (2 * g) * K, 8)
        base1 = pl.multiple_of(start + (2 * g + 1) * K, 8)
        pltpu.sync_copy(src_hbm.at[pl.ds(base0, K)], isrc0)
        pltpu.sync_copy(dst_hbm.at[pl.ds(base0, K)], idst0)
        gd0 = pltpu.async_copy(h_hbm.at[isrc0], rows0, gsem0)
        pltpu.sync_copy(src_hbm.at[pl.ds(base1, K)], isrc1)
        pltpu.sync_copy(dst_hbm.at[pl.ds(base1, K)], idst1)
        gd1 = pltpu.async_copy(h_hbm.at[isrc1], rows1, gsem1)
        gd0.wait()
        pltpu.sync_copy(rows0, acc_sh.at[idst0], add=True)
        gd1.wait()
        pltpu.sync_copy(rows1, acc_sh.at[idst1], add=True)
        return carry

    lax.fori_loop(0, (nit - 1) // 2, body, 0)
    tbase = pl.multiple_of(start + (nit - 1) * K, 8)
    pltpu.sync_copy(src_hbm.at[pl.ds(tbase, K)], isrc0)
    pltpu.sync_copy(dst_hbm.at[pl.ds(tbase, K)], idst0)
    pltpu.async_copy(h_hbm.at[isrc0], rows0, gsem0).wait()
    pltpu.sync_copy(rows0, acc_sh.at[idst0], add=True)
    plsc.subcore_barrier()
    pltpu.sync_copy(acc_sh.at[pl.ds(sid * RPT, RPT)],
                    out_hbm.at[cid, pl.ds(sid * RPT, RPT)])


def _h_body(feat_ref, dga_ref, dgb_ref, h_ref):
    d = dga_ref[0] + dgb_ref[0]
    norm = lax.rsqrt(jnp.maximum(d, 1.0))
    h_ref[...] = feat_ref[...] * norm


def _h_call(feat, deg2):
    return pl.pallas_call(
        _h_body,
        grid=(NBLK,),
        in_specs=[
            pl.BlockSpec((R, D), lambda i: (i, 0)),
            pl.BlockSpec((1, R, 1), lambda i: (0, i, 0)),
            pl.BlockSpec((1, R, 1), lambda i: (1, i, 0)),
        ],
        out_specs=pl.BlockSpec((R, D), lambda i: (i, 0)),
        out_shape=jax.ShapeDtypeStruct((N, D), jnp.float32),
    )(feat, deg2, deg2)


def _out_body(msga_ref, msgb_ref, h_ref, dga_ref, dgb_ref, lin_ref,
              w_ref, b_ref, o_ref):
    msg = msga_ref[0] + msgb_ref[0]
    d = dga_ref[0] + dgb_ref[0]
    norm = lax.rsqrt(jnp.maximum(d, 1.0))
    l = lin_ref[...]
    out = (1.0 - l) * msg + l * h_ref[...]
    r = jnp.dot(out, w_ref[...], preferred_element_type=jnp.float32)
    o_ref[...] = r * norm + b_ref[...]


def _out_call(msg2, h, deg2, lin, weight, bias):
    return pl.pallas_call(
        _out_body,
        grid=(NBLK,),
        in_specs=[
            pl.BlockSpec((1, R, D), lambda i: (0, i, 0)),
            pl.BlockSpec((1, R, D), lambda i: (1, i, 0)),
            pl.BlockSpec((R, D), lambda i: (i, 0)),
            pl.BlockSpec((1, R, 1), lambda i: (0, i, 0)),
            pl.BlockSpec((1, R, 1), lambda i: (1, i, 0)),
            pl.BlockSpec((R, 1), lambda i: (i, 0)),
            pl.BlockSpec((D, D), lambda i: (0, 0)),
            pl.BlockSpec((1, D), lambda i: (0, 0)),
        ],
        out_specs=pl.BlockSpec((R, D), lambda i: (i, 0)),
        out_shape=jax.ShapeDtypeStruct((N, D), jnp.float32),
    )(msg2, msg2, h, deg2, deg2, lin, weight, bias)


def kernel(feat, edge_index, weight, bias, linear_comb):
    pad = EPAD - E
    src = jnp.concatenate([edge_index[0], jnp.zeros((pad,), jnp.int32)])
    dst = jnp.concatenate([edge_index[1], jnp.full((pad,), N, jnp.int32)])
    padd = EPADD - E
    dstd_pad = N + jnp.arange(padd, dtype=jnp.int32) % (NP - N)
    dstd2d = jnp.concatenate([edge_index[1], dstd_pad]).reshape(EPADD // K, K)

    deg2 = _deg_kernel(dstd2d).reshape(2, NP, 1)
    h = _h_call(feat, deg2)
    msg2 = _msg_kernel(src, dst, h)
    rst = _out_call(msg2, h, deg2, linear_comb.reshape(N, 1),
                    weight, bias.reshape(1, D))
    return rst

# --- scband reference (transcript-rebuilt; emitter-appended) ---
"""Pipeline reference for scband-our-layer-gcn-18322330485089 (READ-ONLY COPY).

The authoritative reference and input builder live on the scoring server;
editing this copy changes nothing except your own understanding.
"""

import jax, jax.numpy as jnp
import numpy as np

N = 10000
E = 320000
IN_FEATS = 128
OUT_FEATS = 128


def setup_inputs(seed: int = 0) -> dict:
    key = jax.random.key(seed)
    k1, k2, k3 = jax.random.split(key, 3)
    feat = jax.random.normal(k1, (N, IN_FEATS), dtype=jnp.float32)
    edge_index = jax.random.randint(k2, (2, E), 0, N, dtype=jnp.int32)
    # learned parameters
    limit = float(np.sqrt(6.0 / (IN_FEATS + OUT_FEATS)))  # xavier_uniform
    weight = jax.random.uniform(k3, (IN_FEATS, OUT_FEATS), dtype=jnp.float32, minval=-limit, maxval=limit)
    bias = jnp.zeros((OUT_FEATS,), dtype=jnp.float32)
    linear_comb = jnp.ones((N,), dtype=jnp.float32) * 0.5
    return {"feat": feat, "edge_index": edge_index, "weight": weight, "bias": bias, "linear_comb": linear_comb}


def reference(feat, edge_index, weight, bias, linear_comb):
    src = edge_index[0]
    dst = edge_index[1]
    # in-degree normalization (DGL in_degrees counts edges arriving at dst)
    ones = jnp.ones((E,), dtype=jnp.float32)
    deg = jax.ops.segment_sum(ones, dst, num_segments=N)
    norm = jnp.power(jnp.clip(deg, 1.0, None), -0.5)[:, None]
    h = feat * norm
    # in_feats == out_feats -> aggregate first, then matmul
    # copy_src message + sum reduce: msg[v] = sum_{(u->v)} h[u]
    msg = jax.ops.segment_sum(h[src], dst, num_segments=N)
    # linear combination of aggregated messages and self features
    lin = linear_comb[:, None]
    out = (1.0 - lin) * msg + lin * h
    rst = jnp.matmul(out, weight)
    rst = rst * norm
    rst = rst + bias
    return rst

if __name__ == "__main__":
    import jax
    _d = setup_inputs()
    print(jax.jit(kernel)(*tuple(_d.values())))

</pallas_src>

<mosaic_0001>
#map = affine_map<(d0, d1) -> (0, 0)>
module attributes {stable_mosaic.version = 14 : i64} {
  func.func @_deg_kernel(%arg0: i32, %arg1: i32, %arg2: memref<2560x128xi32, #tpu.memory_space<hbm>>, %arg3: memref<2x10240xf32, #tpu.memory_space<hbm>>, %arg4: memref<128xf32, #tpu.memory_space<vmem>>, %arg5: memref<640xf32, #tpu.memory_space<vmem>>, %arg6: memref<8x128xi32, #tpu.memory_space<vmem>>, %arg7: memref<10240xf32, #tpu.memory_space<vmem_shared>>, %arg8: memref<!tpu.dma_semaphore, #tpu.memory_space<semaphore_mem>>) attributes {dimension_semantics = [#tpu.dimension_semantics<core_parallel>, #tpu.dimension_semantics<subcore_parallel>], iteration_bounds = array<i64: 2, 16>, scalar_prefetch = 0 : i64, scratch_operands = 5 : i64, tpu.core_type = #tpu.core_type<sc_vector_subcore>, window_params = [{transform_indices = #map}, {transform_indices = #map}]} {
    %mul3A = arith.constant 16 : i32
    %mul3A_0 = arith.muli %arg0, %mul3A : i32
    %add3A = arith.addi %mul3A_0, %arg1 : i32
    %broadcast_in_dim3A = arith.constant 1.000000e+00 : f32
    %broadcast_in_dim3A_1 = vector.broadcast %broadcast_in_dim3A : f32 to vector<16xf32>
    %swap3A = arith.constant 0 : index
    %swap3A_2 = tpu.vector_load %arg4[%swap3A] {strides = array<i32>} : memref<128xf32, #tpu.memory_space<vmem>>, vector<16xf32>,
    %swap3A_3 = vector.shape_cast %swap3A_2 : vector<16xf32> to vector<16xf32>
    %swap3A_4 = vector.shape_cast %broadcast_in_dim3A_1 : vector<16xf32> to vector<16xf32>
    tpu.vector_store %arg4[%swap3A], %swap3A_4 {strides = array<i32>} : memref<128xf32, #tpu.memory_space<vmem>>, vector<16xf32>,
    %broadcast_in_dim3A_5 = arith.constant 1.000000e+00 : f32
    %broadcast_in_dim3A_6 = vector.broadcast %broadcast_in_dim3A_5 : f32 to vector<16xf32>
    %swap3A_7 = arith.constant 16 : index
    %swap3A_8 = tpu.vector_load %arg4[%swap3A_7] {strides = array<i32>} : memref<128xf32, #tpu.memory_space<vmem>>, vector<16xf32>,
    %swap3A_9 = vector.shape_cast %swap3A_8 : vector<16xf32> to vector<16xf32>
    %swap3A_10 = vector.shape_cast %broadcast_in_dim3A_6 : vector<16xf32> to vector<16xf32>
    tpu.vector_store %arg4[%swap3A_7], %swap3A_10 {strides = array<i32>} : memref<128xf32, #tpu.memory_space<vmem>>, vector<16xf32>,
    %broadcast_in_dim3A_11 = arith.constant 1.000000e+00 : f32
    %broadcast_in_dim3A_12 = vector.broadcast %broadcast_in_dim3A_11 : f32 to vector<16xf32>
    %swap3A_13 = arith.constant 32 : index
    %swap3A_14 = tpu.vector_load %arg4[%swap3A_13] {strides = array<i32>} : memref<128xf32, #tpu.memory_space<vmem>>, vector<16xf32>,
    %swap3A_15 = vector.shape_cast %swap3A_14 : vector<16xf32> to vector<16xf32>
    %swap3A_16 = vector.shape_cast %broadcast_in_dim3A_12 : vector<16xf32> to vector<16xf32>
    tpu.vector_store %arg4[%swap3A_13], %swap3A_16 {strides = array<i32>} : memref<128xf32, #tpu.memory_space<vmem>>, vector<16xf32>,
    %broadcast_in_dim3A_17 = arith.constant 1.000000e+00 : f32
    %broadcast_in_dim3A_18 = vector.broadcast %broadcast_in_dim3A_17 : f32 to vector<16xf32>
    %swap3A_19 = arith.constant 48 : index
    %swap3A_20 = tpu.vector_load %arg4[%swap3A_19] {strides = array<i32>} : memref<128xf32, #tpu.memory_space<vmem>>, vector<16xf32>,
    %swap3A_21 = vector.shape_cast %swap3A_20 : vector<16xf32> to vector<16xf32>
    %swap3A_22 = vector.shape_cast %broadcast_in_dim3A_18 : vector<16xf32> to vector<16xf32>
    tpu.vector_store %arg4[%swap3A_19], %swap3A_22 {strides = array<i32>} : memref<128xf32, #tpu.memory_space<vmem>>, vector<16xf32>,
    %broadcast_in_dim3A_23 = arith.constant 1.000000e+00 : f32
    %broadcast_in_dim3A_24 = vector.broadcast %broadcast_in_dim3A_23 : f32 to vector<16xf32>
    %swap3A_25 = arith.constant 64 : index
    %swap3A_26 = tpu.vector_load %arg4[%swap3A_25] {strides = array<i32>} : memref<128xf32, #tpu.memory_space<vmem>>, vector<16xf32>,
    %swap3A_27 = vector.shape_cast %swap3A_26 : vector<16xf32> to vector<16xf32>
    %swap3A_28 = vector.shape_cast %broadcast_in_dim3A_24 : vector<16xf32> to vector<16xf32>
    tpu.vector_store %arg4[%swap3A_25], %swap3A_28 {strides = array<i32>} : memref<128xf32, #tpu.memory_space<vmem>>, vector<16xf32>,
    %broadcast_in_dim3A_29 = arith.constant 1.000000e+00 : f32
    %broadcast_in_dim3A_30 = vector.broadcast %broadcast_in_dim3A_29 : f32 to vector<16xf32>
    %swap3A_31 = arith.constant 80 : index
    %swap3A_32 = tpu.vector_load %arg4[%swap3A_31] {strides = array<i32>} : memref<128xf32, #tpu.memory_space<vmem>>, vector<16xf32>,
    %swap3A_33 = vector.shape_cast %swap3A_32 : vector<16xf32> to vector<16xf32>
    %swap3A_34 = vector.shape_cast %broadcast_in_dim3A_30 : vector<16xf32> to vector<16xf32>
    tpu.vector_store %arg4[%swap3A_31], %swap3A_34 {strides = array<i32>} : memref<128xf32, #tpu.memory_space<vmem>>, vector<16xf32>,
    %broadcast_in_dim3A_35 = arith.constant 1.000000e+00 : f32
    %broadcast_in_dim3A_36 = vector.broadcast %broadcast_in_dim3A_35 : f32 to vector<16xf32>
    %swap3A_37 = arith.constant 96 : index
    %swap3A_38 = tpu.vector_load %arg4[%swap3A_37] {strides = array<i32>} : memref<128xf32, #tpu.memory_space<vmem>>, vector<16xf32>,
    %swap3A_39 = vector.shape_cast %swap3A_38 : vector<16xf32> to vector<16xf32>
    %swap3A_40 = vector.shape_cast %broadcast_in_dim3A_36 : vector<16xf32> to vector<16xf32>
    tpu.vector_store %arg4[%swap3A_37], %swap3A_40 {strides = array<i32>} : memref<128xf32, #tpu.memory_space<vmem>>, vector<16xf32>,
    %broadcast_in_dim3A_41 = arith.constant 1.000000e+00 : f32
    %broadcast_in_dim3A_42 = vector.broadcast %broadcast_in_dim3A_41 : f32 to vector<16xf32>
    %swap3A_43 = arith.constant 112 : index
    %swap3A_44 = tpu.vector_load %arg4[%swap3A_43] {strides = array<i32>} : memref<128xf32, #tpu.memory_space<vmem>>, vector<16xf32>,
    %swap3A_45 = vector.shape_cast %swap3A_44 : vector<16xf32> to vector<16xf32>
    %swap3A_46 = vector.shape_cast %broadcast_in_dim3A_42 : vector<16xf32> to vector<16xf32>
    tpu.vector_store %arg4[%swap3A_43], %swap3A_46 {strides = array<i32>} : memref<128xf32, #tpu.memory_space<vmem>>, vector<16xf32>,
    %broadcast_in_dim3A_47 = arith.constant 0.000000e+00 : f32
    %broadcast_in_dim3A_48 = vector.broadcast %broadcast_in_dim3A_47 : f32 to vector<16xf32>
    %swap3A_49 = arith.constant 0 : index
    %swap3A_50 = tpu.vector_load %arg5[%swap3A_49] {strides = array<i32>} : memref<640xf32, #tpu.memory_space<vmem>>, vector<16xf32>,
    %swap3A_51 = vector.shape_cast %swap3A_50 : vector<16xf32> to vector<16xf32>
    %swap3A_52 = vector.shape_cast %broadcast_in_dim3A_48 : vector<16xf32> to vector<16xf32>
    tpu.vector_store %arg5[%swap3A_49], %swap3A_52 {strides = array<i32>} : memref<640xf32, #tpu.memory_space<vmem>>, vector<16xf32>,
    %broadcast_in_dim3A_53 = arith.constant 0.000000e+00 : f32
    %broadcast_in_dim3A_54 = vector.broadcast %broadcast_in_dim3A_53 : f32 to vector<16xf32>
    %swap3A_55 = arith.constant 16 : index
    %swap3A_56 = tpu.vector_load %arg5[%swap3A_55] {strides = array<i32>} : memref<640xf32, #tpu.memory_space<vmem>>, vector<16xf32>,
    %swap3A_57 = vector.shape_cast %swap3A_56 : vector<16xf32> to vector<16xf32>
    %swap3A_58 = vector.shape_cast %broadcast_in_dim3A_54 : vector<16xf32> to vector<16xf32>
    tpu.vector_store %arg5[%swap3A_55], %swap3A_58 {strides = array<i32>} : memref<640xf32, #tpu.memory_space<vmem>>, vector<16xf32>,
    %broadcast_in_dim3A_59 = arith.constant 0.000000e+00 : f32
    %broadcast_in_dim3A_60 = vector.broadcast %broadcast_in_dim3A_59 : f32 to vector<16xf32>
    %swap3A_61 = arith.constant 32 : index
    %swap3A_62 = tpu.vector_load %arg5[%swap3A_61] {strides = array<i32>} : memref<640xf32, #tpu.memory_space<vmem>>, vector<16xf32>,
    %swap3A_63 = vector.shape_cast %swap3A_62 : vector<16xf32> to vector<16xf32>
    %swap3A_64 = vector.shape_cast %broadcast_in_dim3A_60 : vector<16xf32> to vector<16xf32>
    tpu.vector_store %arg5[%swap3A_61], %swap3A_64 {strides = array<i32>} : memref<640xf32, #tpu.memory_space<vmem>>, vector<16xf32>,
    %broadcast_in_dim3A_65 = arith.constant 0.000000e+00 : f32
    %broadcast_in_dim3A_66 = vector.broadcast %broadcast_in_dim3A_65 : f32 to vector<16xf32>
    %swap3A_67 = arith.constant 48 : index
    %swap3A_68 = tpu.vector_load %arg5[%swap3A_67] {strides = array<i32>} : memref<640xf32, #tpu.memory_space<vmem>>, vector<16xf32>,
    %swap3A_69 = vector.shape_cast %swap3A_68 : vector<16xf32> to vector<16xf32>
    %swap3A_70 = vector.shape_cast %broadcast_in_dim3A_66 : vector<16xf32> to vector<16xf32>
    tpu.vector_store %arg5[%swap3A_67], %swap3A_70 {strides = array<i32>} : memref<640xf32, #tpu.memory_space<vmem>>, vector<16xf32>,
    %broadcast_in_dim3A_71 = arith.constant 0.000000e+00 : f32
    %broadcast_in_dim3A_72 = vector.broadcast %broadcast_in_dim3A_71 : f32 to vector<16xf32>
    %swap3A_73 = arith.constant 64 : index
    %swap3A_74 = tpu.vector_load %arg5[%swap3A_73] {strides = array<i32>} : memref<640xf32, #tpu.memory_space<vmem>>, vector<16xf32>,
    %swap3A_75 = vector.shape_cast %swap3A_74 : vector<16xf32> to vector<16xf32>
    %swap3A_76 = vector.shape_cast %broadcast_in_dim3A_72 : vector<16xf32> to vector<16xf32>
    tpu.vector_store %arg5[%swap3A_73], %swap3A_76 {strides = array<i32>} : memref<640xf32, #tpu.memory_space<vmem>>, vector<16xf32>,
    %broadcast_in_dim3A_77 = arith.constant 0.000000e+00 : f32
    %broadcast_in_dim3A_78 = vector.broadcast %broadcast_in_dim3A_77 : f32 to vector<16xf32>
    %swap3A_79 = arith.constant 80 : index
    %swap3A_80 = tpu.vector_load %arg5[%swap3A_79] {strides = array<i32>} : memref<640xf32, #tpu.memory_space<vmem>>, vector<16xf32>,
    %swap3A_81 = vector.shape_cast %swap3A_80 : vector<16xf32> to vector<16xf32>
    %swap3A_82 = vector.shape_cast %broadcast_in_dim3A_78 : vector<16xf32> to vector<16xf32>
    tpu.vector_store %arg5[%swap3A_79], %swap3A_82 {strides = array<i32>} : memref<640xf32, #tpu.memory_space<vmem>>, vector<16xf32>,
    %broadcast_in_dim3A_83 = arith.constant 0.000000e+00 : f32
    %broadcast_in_dim3A_84 = vector.broadcast %broadcast_in_dim3A_83 : f32 to vector<16xf32>
    %swap3A_85 = arith.constant 96 : index
    %swap3A_86 = tpu.vector_load %arg5[%swap3A_85] {strides = array<i32>} : memref<640xf32, #tpu.memory_space<vmem>>, vector<16xf32>,
    %swap3A_87 = vector.shape_cast %swap3A_86 : vector<16xf32> to vector<16xf32>
    %swap3A_88 = vector.shape_cast %broadcast_in_dim3A_84 : vector<16xf32> to vector<16xf32>
    tpu.vector_store %arg5[%swap3A_85], %swap3A_88 {strides = array<i32>} : memref<640xf32, #tpu.memory_space<vmem>>, vector<16xf32>,
    %broadcast_in_dim3A_89 = arith.constant 0.000000e+00 : f32
    %broadcast_in_dim3A_90 = vector.broadcast %broadcast_in_dim3A_89 : f32 to vector<16xf32>
    %swap3A_91 = arith.constant 112 : index
    %swap3A_92 = tpu.vector_load %arg5[%swap3A_91] {strides = array<i32>} : memref<640xf32, #tpu.memory_space<vmem>>, vector<16xf32>,
    %swap3A_93 = vector.shape_cast %swap3A_92 : vector<16xf32> to vector<16xf32>
    %swap3A_94 = vector.shape_cast %broadcast_in_dim3A_90 : vector<16xf32> to vector<16xf32>
    tpu.vector_store %arg5[%swap3A_91], %swap3A_94 {strides = array<i32>} : memref<640xf32, #tpu.memory_space<vmem>>, vector<16xf32>,
    %broadcast_in_dim3A_95 = arith.constant 0.000000e+00 : f32
    %broadcast_in_dim3A_96 = vector.broadcast %broadcast_in_dim3A_95 : f32 to vector<16xf32>
    %swap3A_97 = arith.constant 128 : index
    %swap3A_98 = tpu.vector_load %arg5[%swap3A_97] {strides = array<i32>} : memref<640xf32, #tpu.memory_space<vmem>>, vector<16xf32>,
    %swap3A_99 = vector.shape_cast %swap3A_98 : vector<16xf32> to vector<16xf32>
    %swap3A_100 = vector.shape_cast %broadcast_in_dim3A_96 : vector<16xf32> to vector<16xf32>
    tpu.vector_store %arg5[%swap3A_97], %swap3A_100 {strides = array<i32>} : memref<640xf32, #tpu.memory_space<vmem>>, vector<16xf32>,
    %broadcast_in_dim3A_101 = arith.constant 0.000000e+00 : f32
    %broadcast_in_dim3A_102 = vector.broadcast %broadcast_in_dim3A_101 : f32 to vector<16xf32>
    %swap3A_103 = arith.constant 144 : index
    %swap3A_104 = tpu.vector_load %arg5[%swap3A_103] {strides = array<i32>} : memref<640xf32, #tpu.memory_space<vmem>>, vector<16xf32>,
    %swap3A_105 = vector.shape_cast %swap3A_104 : vector<16xf32> to vector<16xf32>
    %swap3A_106 = vector.shape_cast %broadcast_in_dim3A_102 : vector<16xf32> to vector<16xf32>
    tpu.vector_store %arg5[%swap3A_103], %swap3A_106 {strides = array<i32>} : memref<640xf32, #tpu.memory_space<vmem>>, vector<16xf32>,
    %broadcast_in_dim3A_107 = arith.constant 0.000000e+00 : f32
    %broadcast_in_dim3A_108 = vector.broadcast %broadcast_in_dim3A_107 : f32 to vector<16xf32>
    %swap3A_109 = arith.constant 160 : index
    %swap3A_110 = tpu.vector_load %arg5[%swap3A_109] {strides = array<i32>} : memref<640xf32, #tpu.memory_space<vmem>>, vector<16xf32>,
    %swap3A_111 = vector.shape_cast %swap3A_110 : vector<16xf32> to vector<16xf32>
    %swap3A_112 = vector.shape_cast %broadcast_in_dim3A_108 : vector<16xf32> to vector<16xf32>
    tpu.vector_store %arg5[%swap3A_109], %swap3A_112 {strides = array<i32>} : memref<640xf32, #tpu.memory_space<vmem>>, vector<16xf32>,
    %broadcast_in_dim3A_113 = arith.constant 0.000000e+00 : f32
    %broadcast_in_dim3A_114 = vector.broadcast %broadcast_in_dim3A_113 : f32 to vector<16xf32>
    %swap3A_115 = arith.constant 176 : index
    %swap3A_116 = tpu.vector_load %arg5[%swap3A_115] {strides = array<i32>} : memref<640xf32, #tpu.memory_space<vmem>>, vector<16xf32>,
    %swap3A_117 = vector.shape_cast %swap3A_116 : vector<16xf32> to vector<16xf32>
    %swap3A_118 = vector.shape_cast %broadcast_in_dim3A_114 : vector<16xf32> to vector<16xf32>
    tpu.vector_store %arg5[%swap3A_115], %swap3A_118 {strides = array<i32>} : memref<640xf32, #tpu.memory_space<vmem>>, vector<16xf32>,
    %broadcast_in_dim3A_119 = arith.constant 0.000000e+00 : f32
    %broadcast_in_dim3A_120 = vector.broadcast %broadcast_in_dim3A_119 : f32 to vector<16xf32>
    %swap3A_121 = arith.constant 192 : index
    %swap3A_122 = tpu.vector_load %arg5[%swap3A_121] {strides = array<i32>} : memref<640xf32, #tpu.memory_space<vmem>>, vector<16xf32>,
    %swap3A_123 = vector.shape_cast %swap3A_122 : vector<16xf32> to vector<16xf32>
    %swap3A_124 = vector.shape_cast %broadcast_in_dim3A_120 : vector<16xf32> to vector<16xf32>
    tpu.vector_store %arg5[%swap3A_121], %swap3A_124 {strides = array<i32>} : memref<640xf32, #tpu.memory_space<vmem>>, vector<16xf32>,
    %broadcast_in_dim3A_125 = arith.constant 0.000000e+00 : f32
    %broadcast_in_dim3A_126 = vector.broadcast %broadcast_in_dim3A_125 : f32 to vector<16xf32>
    %swap3A_127 = arith.constant 208 : index
    %swap3A_128 = tpu.vector_load %arg5[%swap3A_127] {strides = array<i32>} : memref<640xf32, #tpu.memory_space<vmem>>, vector<16xf32>,
    %swap3A_129 = vector.shape_cast %swap3A_128 : vector<16xf32> to vector<16xf32>
    %swap3A_130 = vector.shape_cast %broadcast_in_dim3A_126 : vector<16xf32> to vector<16xf32>
    tpu.vector_store %arg5[%swap3A_127], %swap3A_130 {strides = array<i32>} : memref<640xf32, #tpu.memory_space<vmem>>, vector<16xf32>,
    %broadcast_in_dim3A_131 = arith.constant 0.000000e+00 : f32
    %broadcast_in_dim3A_132 = vector.broadcast %broadcast_in_dim3A_131 : f32 to vector<16xf32>
    %swap3A_133 = arith.constant 224 : index
    %swap3A_134 = tpu.vector_load %arg5[%swap3A_133] {strides = array<i32>} : memref<640xf32, #tpu.memory_space<vmem>>, vector<16xf32>,
    %swap3A_135 = vector.shape_cast %swap3A_134 : vector<16xf32> to vector<16xf32>
    %swap3A_136 = vector.shape_cast %broadcast_in_dim3A_132 : vector<16xf32> to vector<16xf32>
    tpu.vector_store %arg5[%swap3A_133], %swap3A_136 {strides = array<i32>} : memref<640xf32, #tpu.memory_space<vmem>>, vector<16xf32>,
    %broadcast_in_dim3A_137 = arith.constant 0.000000e+00 : f32
    %broadcast_in_dim3A_138 = vector.broadcast %broadcast_in_dim3A_137 : f32 to vector<16xf32>
    %swap3A_139 = arith.constant 240 : index
    %swap3A_140 = tpu.vector_load %arg5[%swap3A_139] {strides = array<i32>} : memref<640xf32, #tpu.memory_space<vmem>>, vector<16xf32>,
    %swap3A_141 = vector.shape_cast %swap3A_140 : vector<16xf32> to vector<16xf32>
    %swap3A_142 = vector.shape_cast %broadcast_in_dim3A_138 : vector<16xf32> to vector<16xf32>
    tpu.vector_store %arg5[%swap3A_139], %swap3A_142 {strides = array<i32>} : memref<640xf32, #tpu.memory_space<vmem>>, vector<16xf32>,
    %broadcast_in_dim3A_143 = arith.constant 0.000000e+00 : f32
    %broadcast_in_dim3A_144 = vector.broadcast %broadcast_in_dim3A_143 : f32 to vector<16xf32>
    %swap3A_145 = arith.constant 256 : index
    %swap3A_146 = tpu.vector_load %arg5[%swap3A_145] {strides = array<i32>} : memref<640xf32, #tpu.memory_space<vmem>>, vector<16xf32>,
    %swap3A_147 = vector.shape_cast %swap3A_146 : vector<16xf32> to vector<16xf32>
    %swap3A_148 = vector.shape_cast %broadcast_in_dim3A_144 : vector<16xf32> to vector<16xf32>
    tpu.vector_store %arg5[%swap3A_145], %swap3A_148 {strides = array<i32>} : memref<640xf32, #tpu.memory_space<vmem>>, vector<16xf32>,
    %broadcast_in_dim3A_149 = arith.constant 0.000000e+00 : f32
    %broadcast_in_dim3A_150 = vector.broadcast %broadcast_in_dim3A_149 : f32 to vector<16xf32>
    %swap3A_151 = arith.constant 272 : index
    %swap3A_152 = tpu.vector_load %arg5[%swap3A_151] {strides = array<i32>} : memref<640xf32, #tpu.memory_space<vmem>>, vector<16xf32>,
    %swap3A_153 = vector.shape_cast %swap3A_152 : vector<16xf32> to vector<16xf32>
    %swap3A_154 = vector.shape_cast %broadcast_in_dim3A_150 : vector<16xf32> to vector<16xf32>
    tpu.vector_store %arg5[%swap3A_151], %swap3A_154 {strides = array<i32>} : memref<640xf32, #tpu.memory_space<vmem>>, vector<16xf32>,
    %broadcast_in_dim3A_155 = arith.constant 0.000000e+00 : f32
    %broadcast_in_dim3A_156 = vector.broadcast %broadcast_in_dim3A_155 : f32 to vector<16xf32>
    %swap3A_157 = arith.constant 288 : index
    %swap3A_158 = tpu.vector_load %arg5[%swap3A_157] {strides = array<i32>} : memref<640xf32, #tpu.memory_space<vmem>>, vector<16xf32>,
    %swap3A_159 = vector.shape_cast %swap3A_158 : vector<16xf32> to vector<16xf32>
    %swap3A_160 = vector.shape_cast %broadcast_in_dim3A_156 : vector<16xf32> to vector<16xf32>
    tpu.vector_store %arg5[%swap3A_157], %swap3A_160 {strides = array<i32>} : memref<640xf32, #tpu.memory_space<vmem>>, vector<16xf32>,
    %broadcast_in_dim3A_161 = arith.constant 0.000000e+00 : f32
    %broadcast_in_dim3A_162 = vector.broadcast %broadcast_in_dim3A_161 : f32 to vector<16xf32>
    %swap3A_163 = arith.constant 304 : index
    %swap3A_164 = tpu.vector_load %arg5[%swap3A_163] {strides = array<i32>} : memref<640xf32, #tpu.memory_space<vmem>>, vector<16xf32>,
    %swap3A_165 = vector.shape_cast %swap3A_164 : vector<16xf32> to vector<16xf32>
    %swap3A_166 = vector.shape_cast %broadcast_in_dim3A_162 : vector<16xf32> to vector<16xf32>
    tpu.vector_store %arg5[%swap3A_163], %swap3A_166 {strides = array<i32>} : memref<640xf32, #tpu.memory_space<vmem>>, vector<16xf32>,
    %broadcast_in_dim3A_167 = arith.constant 0.000000e+00 : f32
    %broadcast_in_dim3A_168 = vector.broadcast %broadcast_in_dim3A_167 : f32 to vector<16xf32>
    %swap3A_169 = arith.constant 320 : index
    %swap3A_170 = tpu.vector_load %arg5[%swap3A_169] {strides = array<i32>} : memref<640xf32, #tpu.memory_space<vmem>>, vector<16xf32>,
    %swap3A_171 = vector.shape_cast %swap3A_170 : vector<16xf32> to vector<16xf32>
    %swap3A_172 = vector.shape_cast %broadcast_in_dim3A_168 : vector<16xf32> to vector<16xf32>
    tpu.vector_store %arg5[%swap3A_169], %swap3A_172 {strides = array<i32>} : memref<640xf32, #tpu.memory_space<vmem>>, vector<16xf32>,
    %broadcast_in_dim3A_173 = arith.constant 0.000000e+00 : f32
    %broadcast_in_dim3A_174 = vector.broadcast %broadcast_in_dim3A_173 : f32 to vector<16xf32>
    %swap3A_175 = arith.constant 336 : index
    %swap3A_176 = tpu.vector_load %arg5[%swap3A_175] {strides = array<i32>} : memref<640xf32, #tpu.memory_space<vmem>>, vector<16xf32>,
    %swap3A_177 = vector.shape_cast %swap3A_176 : vector<16xf32> to vector<16xf32>
    %swap3A_178 = vector.shape_cast %broadcast_in_dim3A_174 : vector<16xf32> to vector<16xf32>
    tpu.vector_store %arg5[%swap3A_175], %swap3A_178 {strides = array<i32>} : memref<640xf32, #tpu.memory_space<vmem>>, vector<16xf32>,
    %broadcast_in_dim3A_179 = arith.constant 0.000000e+00 : f32
    %broadcast_in_dim3A_180 = vector.broadcast %broadcast_in_dim3A_179 : f32 to vector<16xf32>
    %swap3A_181 = arith.constant 352 : index
    %swap3A_182 = tpu.vector_load %arg5[%swap3A_181] {strides = array<i32>} : memref<640xf32, #tpu.memory_space<vmem>>, vector<16xf32>,
    %swap3A_183 = vector.shape_cast %swap3A_182 : vector<16xf32> to vector<16xf32>
    %swap3A_184 = vector.shape_cast %broadcast_in_dim3A_180 : vector<16xf32> to vector<16xf32>
    tpu.vector_store %arg5[%swap3A_181], %swap3A_184 {strides = array<i32>} : memref<640xf32, #tpu.memory_space<vmem>>, vector<16xf32>,
    %broadcast_in_dim3A_185 = arith.constant 0.000000e+00 : f32
    %broadcast_in_dim3A_186 = vector.broadcast %broadcast_in_dim3A_185 : f32 to vector<16xf32>
    %swap3A_187 = arith.constant 368 : index
    %swap3A_188 = tpu.vector_load %arg5[%swap3A_187] {strides = array<i32>} : memref<640xf32, #tpu.memory_space<vmem>>, vector<16xf32>,
    %swap3A_189 = vector.shape_cast %swap3A_188 : vector<16xf32> to vector<16xf32>
    %swap3A_190 = vector.shape_cast %broadcast_in_dim3A_186 : vector<16xf32> to vector<16xf32>
    tpu.vector_store %arg5[%swap3A_187], %swap3A_190 {strides = array<i32>} : memref<640xf32, #tpu.memory_space<vmem>>, vector<16xf32>,
    %broadcast_in_dim3A_191 = arith.constant 0.000000e+00 : f32
    %broadcast_in_dim3A_192 = vector.broadcast %broadcast_in_dim3A_191 : f32 to vector<16xf32>
    %swap3A_193 = arith.constant 384 : index
    %swap3A_194 = tpu.vector_load %arg5[%swap3A_193] {strides = array<i32>} : memref<640xf32, #tpu.memory_space<vmem>>, vector<16xf32>,
    %swap3A_195 = vector.shape_cast %swap3A_194 : vector<16xf32> to vector<16xf32>
    %swap3A_196 = vector.shape_cast %broadcast_in_dim3A_192 : vector<16xf32> to vector<16xf32>
    tpu.vector_store %arg5[%swap3A_193], %swap3A_196 {strides = array<i32>} : memref<640xf32, #tpu.memory_space<vmem>>, vector<16xf32>,
    %broadcast_in_dim3A_197 = arith.constant 0.000000e+00 : f32
    %broadcast_in_dim3A_198 = vector.broadcast %broadcast_in_dim3A_197 : f32 to vector<16xf32>
    %swap3A_199 = arith.constant 400 : index
    %swap3A_200 = tpu.vector_load %arg5[%swap3A_199] {strides = array<i32>} : memref<640xf32, #tpu.memory_space<vmem>>, vector<16xf32>,
    %swap3A_201 = vector.shape_cast %swap3A_200 : vector<16xf32> to vector<16xf32>
    %swap3A_202 = vector.shape_cast %broadcast_in_dim3A_198 : vector<16xf32> to vector<16xf32>
    tpu.vector_store %arg5[%swap3A_199], %swap3A_202 {strides = array<i32>} : memref<640xf32, #tpu.memory_space<vmem>>, vector<16xf32>,
    %broadcast_in_dim3A_203 = arith.constant 0.000000e+00 : f32
    %broadcast_in_dim3A_204 = vector.broadcast %broadcast_in_dim3A_203 : f32 to vector<16xf32>
    %swap3A_205 = arith.constant 416 : index
    %swap3A_206 = tpu.vector_load %arg5[%swap3A_205] {strides = array<i32>} : memref<640xf32, #tpu.memory_space<vmem>>, vector<16xf32>,
    %swap3A_207 = vector.shape_cast %swap3A_206 : vector<16xf32> to vector<16xf32>
    %swap3A_208 = vector.shape_cast %broadcast_in_dim3A_204 : vector<16xf32> to vector<16xf32>
    tpu.vector_store %arg5[%swap3A_205], %swap3A_208 {strides = array<i32>} : memref<640xf32, #tpu.memory_space<vmem>>, vector<16xf32>,
    %broadcast_in_dim3A_209 = arith.constant 0.000000e+00 : f32
    %broadcast_in_dim3A_210 = vector.broadcast %broadcast_in_dim3A_209 : f32 to vector<16xf32>
    %swap3A_211 = arith.constant 432 : index
    %swap3A_212 = tpu.vector_load %arg5[%swap3A_211] {strides = array<i32>} : memref<640xf32, #tpu.memory_space<vmem>>, vector<16xf32>,
    %swap3A_213 = vector.shape_cast %swap3A_212 : vector<16xf32> to vector<16xf32>
    %swap3A_214 = vector.shape_cast %broadcast_in_dim3A_210 : vector<16xf32> to vector<16xf32>
    tpu.vector_store %arg5[%swap3A_211], %swap3A_214 {strides = array<i32>} : memref<640xf32, #tpu.memory_space<vmem>>, vector<16xf32>,
    %broadcast_in_dim3A_215 = arith.constant 0.000000e+00 : f32
    %broadcast_in_dim3A_216 = vector.broadcast %broadcast_in_dim3A_215 : f32 to vector<16xf32>
    %swap3A_217 = arith.constant 448 : index
    %swap3A_218 = tpu.vector_load %arg5[%swap3A_217] {strides = array<i32>} : memref<640xf32, #tpu.memory_space<vmem>>, vector<16xf32>,
    %swap3A_219 = vector.shape_cast %swap3A_218 : vector<16xf32> to vector<16xf32>
    %swap3A_220 = vector.shape_cast %broadcast_in_dim3A_216 : vector<16xf32> to vector<16xf32>
    tpu.vector_store %arg5[%swap3A_217], %swap3A_220 {strides = array<i32>} : memref<640xf32, #tpu.memory_space<vmem>>, vector<16xf32>,
    %broadcast_in_dim3A_221 = arith.constant 0.000000e+00 : f32
    %broadcast_in_dim3A_222 = vector.broadcast %broadcast_in_dim3A_221 : f32 to vector<16xf32>
    %swap3A_223 = arith.constant 464 : index
    %swap3A_224 = tpu.vector_load %arg5[%swap3A_223] {strides = array<i32>} : memref<640xf32, #tpu.memory_space<vmem>>, vector<16xf32>,
    %swap3A_225 = vector.shape_cast %swap3A_224 : vector<16xf32> to vector<16xf32>
    %swap3A_226 = vector.shape_cast %broadcast_in_dim3A_222 : vector<16xf32> to vector<16xf32>
    tpu.vector_store %arg5[%swap3A_223], %swap3A_226 {strides = array<i32>} : memref<640xf32, #tpu.memory_space<vmem>>, vector<16xf32>,
    %broadcast_in_dim3A_227 = arith.constant 0.000000e+00 : f32
    %broadcast_in_dim3A_228 = vector.broadcast %broadcast_in_dim3A_227 : f32 to vector<16xf32>
    %swap3A_229 = arith.constant 480 : index
    %swap3A_230 = tpu.vector_load %arg5[%swap3A_229] {strides = array<i32>} : memref<640xf32, #tpu.memory_space<vmem>>, vector<16xf32>,
    %swap3A_231 = vector.shape_cast %swap3A_230 : vector<16xf32> to vector<16xf32>
    %swap3A_232 = vector.shape_cast %broadcast_in_dim3A_228 : vector<16xf32> to vector<16xf32>
    tpu.vector_store %arg5[%swap3A_229], %swap3A_232 {strides = array<i32>} : memref<640xf32, #tpu.memory_space<vmem>>, vector<16xf32>,
    %broadcast_in_dim3A_233 = arith.constant 0.000000e+00 : f32
    %broadcast_in_dim3A_234 = vector.broadcast %broadcast_in_dim3A_233 : f32 to vector<16xf32>
    %swap3A_235 = arith.constant 496 : index
    %swap3A_236 = tpu.vector_load %arg5[%swap3A_235] {strides = array<i32>} : memref<640xf32, #tpu.memory_space<vmem>>, vector<16xf32>,
    %swap3A_237 = vector.shape_cast %swap3A_236 : vector<16xf32> to vector<16xf32>
    %swap3A_238 = vector.shape_cast %broadcast_in_dim3A_234 : vector<16xf32> to vector<16xf32>
    tpu.vector_store %arg5[%swap3A_235], %swap3A_238 {strides = array<i32>} : memref<640xf32, #tpu.memory_space<vmem>>, vector<16xf32>,
    %broadcast_in_dim3A_239 = arith.constant 0.000000e+00 : f32
    %broadcast_in_dim3A_240 = vector.broadcast %broadcast_in_dim3A_239 : f32 to vector<16xf32>
    %swap3A_241 = arith.constant 512 : index
    %swap3A_242 = tpu.vector_load %arg5[%swap3A_241] {strides = array<i32>} : memref<640xf32, #tpu.memory_space<vmem>>, vector<16xf32>,
    %swap3A_243 = vector.shape_cast %swap3A_242 : vector<16xf32> to vector<16xf32>
    %swap3A_244 = vector.shape_cast %broadcast_in_dim3A_240 : vector<16xf32> to vector<16xf32>
    tpu.vector_store %arg5[%swap3A_241], %swap3A_244 {strides = array<i32>} : memref<640xf32, #tpu.memory_space<vmem>>, vector<16xf32>,
    %broadcast_in_dim3A_245 = arith.constant 0.000000e+00 : f32
    %broadcast_in_dim3A_246 = vector.broadcast %broadcast_in_dim3A_245 : f32 to vector<16xf32>
    %swap3A_247 = arith.constant 528 : index
    %swap3A_248 = tpu.vector_load %arg5[%swap3A_247] {strides = array<i32>} : memref<640xf32, #tpu.memory_space<vmem>>, vector<16xf32>,
    %swap3A_249 = vector.shape_cast %swap3A_248 : vector<16xf32> to vector<16xf32>
    %swap3A_250 = vector.shape_cast %broadcast_in_dim3A_246 : vector<16xf32> to vector<16xf32>
    tpu.vector_store %arg5[%swap3A_247], %swap3A_250 {strides = array<i32>} : memref<640xf32, #tpu.memory_space<vmem>>, vector<16xf32>,
    %broadcast_in_dim3A_251 = arith.constant 0.000000e+00 : f32
    %broadcast_in_dim3A_252 = vector.broadcast %broadcast_in_dim3A_251 : f32 to vector<16xf32>
    %swap3A_253 = arith.constant 544 : index
    %swap3A_254 = tpu.vector_load %arg5[%swap3A_253] {strides = array<i32>} : memref<640xf32, #tpu.memory_space<vmem>>, vector<16xf32>,
    %swap3A_255 = vector.shape_cast %swap3A_254 : vector<16xf32> to vector<16xf32>
    %swap3A_256 = vector.shape_cast %broadcast_in_dim3A_252 : vector<16xf32> to vector<16xf32>
    tpu.vector_store %arg5[%swap3A_253], %swap3A_256 {strides = array<i32>} : memref<640xf32, #tpu.memory_space<vmem>>, vector<16xf32>,
    %broadcast_in_dim3A_257 = arith.constant 0.000000e+00 : f32
    %broadcast_in_dim3A_258 = vector.broadcast %broadcast_in_dim3A_257 : f32 to vector<16xf32>
    %swap3A_259 = arith.constant 560 : index
    %swap3A_260 = tpu.vector_load %arg5[%swap3A_259] {strides = array<i32>} : memref<640xf32, #tpu.memory_space<vmem>>, vector<16xf32>,
    %swap3A_261 = vector.shape_cast %swap3A_260 : vector<16xf32> to vector<16xf32>
    %swap3A_262 = vector.shape_cast %broadcast_in_dim3A_258 : vector<16xf32> to vector<16xf32>
    tpu.vector_store %arg5[%swap3A_259], %swap3A_262 {strides = array<i32>} : memref<640xf32, #tpu.memory_space<vmem>>, vector<16xf32>,
    %broadcast_in_dim3A_263 = arith.constant 0.000000e+00 : f32
    %broadcast_in_dim3A_264 = vector.broadcast %broadcast_in_dim3A_263 : f32 to vector<16xf32>
    %swap3A_265 = arith.constant 576 : index
    %swap3A_266 = tpu.vector_load %arg5[%swap3A_265] {strides = array<i32>} : memref<640xf32, #tpu.memory_space<vmem>>, vector<16xf32>,
    %swap3A_267 = vector.shape_cast %swap3A_266 : vector<16xf32> to vector<16xf32>
    %swap3A_268 = vector.shape_cast %broadcast_in_dim3A_264 : vector<16xf32> to vector<16xf32>
    tpu.vector_store %arg5[%swap3A_265], %swap3A_268 {strides = array<i32>} : memref<640xf32, #tpu.memory_space<vmem>>, vector<16xf32>,
    %broadcast_in_dim3A_269 = arith.constant 0.000000e+00 : f32
    %broadcast_in_dim3A_270 = vector.broadcast %broadcast_in_dim3A_269 : f32 to vector<16xf32>
    %swap3A_271 = arith.constant 592 : index
    %swap3A_272 = tpu.vector_load %arg5[%swap3A_271] {strides = array<i32>} : memref<640xf32, #tpu.memory_space<vmem>>, vector<16xf32>,
    %swap3A_273 = vector.shape_cast %swap3A_272 : vector<16xf32> to vector<16xf32>
    %swap3A_274 = vector.shape_cast %broadcast_in_dim3A_270 : vector<16xf32> to vector<16xf32>
    tpu.vector_store %arg5[%swap3A_271], %swap3A_274 {strides = array<i32>} : memref<640xf32, #tpu.memory_space<vmem>>, vector<16xf32>,
    %broadcast_in_dim3A_275 = arith.constant 0.000000e+00 : f32
    %broadcast_in_dim3A_276 = vector.broadcast %broadcast_in_dim3A_275 : f32 to vector<16xf32>
    %swap3A_277 = arith.constant 608 : index
    %swap3A_278 = tpu.vector_load %arg5[%swap3A_277] {strides = array<i32>} : memref<640xf32, #tpu.memory_space<vmem>>, vector<16xf32>,
    %swap3A_279 = vector.shape_cast %swap3A_278 : vector<16xf32> to vector<16xf32>
    %swap3A_280 = vector.shape_cast %broadcast_in_dim3A_276 : vector<16xf32> to vector<16xf32>
    tpu.vector_store %arg5[%swap3A_277], %swap3A_280 {strides = array<i32>} : memref<640xf32, #tpu.memory_space<vmem>>, vector<16xf32>,
    %broadcast_in_dim3A_281 = arith.constant 0.000000e+00 : f32
    %broadcast_in_dim3A_282 = vector.broadcast %broadcast_in_dim3A_281 : f32 to vector<16xf32>
    %swap3A_283 = arith.constant 624 : index
    %swap3A_284 = tpu.vector_load %arg5[%swap3A_283] {strides = array<i32>} : memref<640xf32, #tpu.memory_space<vmem>>, vector<16xf32>,
    %swap3A_285 = vector.shape_cast %swap3A_284 : vector<16xf32> to vector<16xf32>
    %swap3A_286 = vector.shape_cast %broadcast_in_dim3A_282 : vector<16xf32> to vector<16xf32>
    tpu.vector_store %arg5[%swap3A_283], %swap3A_286 {strides = array<i32>} : memref<640xf32, #tpu.memory_space<vmem>>, vector<16xf32>,
    %mul3A_287 = arith.constant 640 : i32
    %mul3A_288 = arith.muli %arg1, %mul3A_287 : i32
    "tpu.region"() ({
      %run_scoped3A = tpu.sem_alloc : memref<!tpu.dma_semaphore, #tpu.memory_space<semaphore_mem>>
      %dma_start3A = tpu.memref_slice %arg7[%mul3A_288] : memref<10240xf32, #tpu.memory_space<vmem_shared>> -> memref<640xf32, #tpu.memory_space<vmem_shared>>
      %dma_start3A_298 = tpu.memref_slice %arg7[%mul3A_288] : memref<10240xf32, #tpu.memory_space<vmem_shared>> -> memref<640xf32, #tpu.memory_space<vmem_shared>>
      tpu.enqueue_dma source(%arg5 : memref<640xf32, #tpu.memory_space<vmem>>) target(%dma_start3A_298 : memref<640xf32, #tpu.memory_space<vmem_shared>>) target_semaphore(%run_scoped3A : memref<!tpu.dma_semaphore, #tpu.memory_space<semaphore_mem>>)
      %dma_wait3A = tpu.memref_slice %arg7[%mul3A_288] : memref<10240xf32, #tpu.memory_space<vmem_shared>> -> memref<640xf32, #tpu.memory_space<vmem_shared>>
      %dma_wait3A_299 = tpu.memref_slice %arg7[%mul3A_288] : memref<10240xf32, #tpu.memory_space<vmem_shared>> -> memref<640xf32, #tpu.memory_space<vmem_shared>>
      tpu.wait_dma2 semaphore(%run_scoped3A : memref<!tpu.dma_semaphore, #tpu.memory_space<semaphore_mem>>) src(%arg5 : memref<640xf32, #tpu.memory_space<vmem>>) dst(%dma_wait3A_299 : memref<640xf32, #tpu.memory_space<vmem_shared>>)
      tpu.yield
    }) : () -> ()
    %barrier3A = arith.constant 0 : index
    tpu.barrier barrier_id(%barrier3A)
    %scan3A = arith.constant 0 : i32
    %scan3A_289 = arith.constant 10 : i32
    %scan3A_290 = arith.addi %scan3A, %scan3A_289 : i32
    %scan3A_291 = arith.constant 1 : i32
    scf.for %scan3A_298 = %scan3A to %scan3A_290 step %scan3A_291  : i32 {
      %mul3A_299 = arith.constant 1 : i32
      %mul3A_300 = arith.muli %scan3A_298, %mul3A_299 : i32
      %add3A_301 = arith.constant 0 : i32
      %add3A_302 = arith.addi %add3A_301, %mul3A_300 : i32
      %mul3A_303 = arith.constant 80 : i32
      %mul3A_304 = arith.muli %add3A, %mul3A_303 : i32
      %mul3A_305 = arith.constant 8 : i32
      %mul3A_306 = arith.muli %add3A_302, %mul3A_305 : i32
      %add3A_307 = arith.addi %mul3A_304, %mul3A_306 : i32
      %multiple_of3A = tpu.assume_multiple %add3A_307, 8 : i32
      "tpu.region"() ({
        %run_scoped3A = tpu.sem_alloc : memref<!tpu.dma_semaphore, #tpu.memory_space<semaphore_mem>>
        %dma_start3A_402 = arith.constant 0 : i32
        %dma_start3A_403 = tpu.memref_slice %arg2[%multiple_of3A, %dma_start3A_402] : memref<2560x128xi32, #tpu.memory_space<hbm>> -> memref<8x128xi32, #tpu.memory_space<hbm>>
        %dma_start3A_404 = arith.constant 0 : i32
        %dma_start3A_405 = tpu.memref_slice %arg2[%multiple_of3A, %dma_start3A_404] : memref<2560x128xi32, #tpu.memory_space<hbm>> -> memref<8x128xi32, #tpu.memory_space<hbm>>
        tpu.enqueue_dma source(%dma_start3A_405 : memref<8x128xi32, #tpu.memory_space<hbm>>) target(%arg6 : memref<8x128xi32, #tpu.memory_space<vmem>>) target_semaphore(%run_scoped3A : memref<!tpu.dma_semaphore, #tpu.memory_space<semaphore_mem>>)
        %dma_wait3A_406 = arith.constant 0 : i32
        %dma_wait3A_407 = tpu.memref_slice %arg2[%multiple_of3A, %dma_wait3A_406] : memref<2560x128xi32, #tpu.memory_space<hbm>> -> memref<8x128xi32, #tpu.memory_space<hbm>>
        %dma_wait3A_408 = arith.constant 0 : i32
        %dma_wait3A_409 = tpu.memref_slice %arg2[%multiple_of3A, %dma_wait3A_408] : memref<2560x128xi32, #tpu.memory_space<hbm>> -> memref<8x128xi32, #tpu.memory_space<hbm>>
        tpu.wait_dma2 semaphore(%run_scoped3A : memref<!tpu.dma_semaphore, #tpu.memory_space<semaphore_mem>>) src(%dma_wait3A_409 : memref<8x128xi32, #tpu.memory_space<hbm>>) dst(%arg6 : memref<8x128xi32, #tpu.memory_space<vmem>>)
        tpu.yield
      }) : () -> ()
      %dma_start3A = arith.constant 0 : i32
      %dma_start3A_308 = arith.constant 0 : i32
      %dma_start3A_309 = tpu.memref_slice %arg6[%dma_start3A, %dma_start3A_308] : memref<8x128xi32, #tpu.memory_space<vmem>> -> memref<1x128xi32, #tpu.memory_space<vmem>>
      %dma_start3A_310 = tpu.memref_squeeze %dma_start3A_309 : memref<1x128xi32, #tpu.memory_space<vmem>> -> memref<128xi32, #tpu.memory_space<vmem>>
      %dma_start3A_311 = arith.constant 0 : i32
      %dma_start3A_312 = tpu.memref_slice %arg7[%dma_start3A_311] : memref<10240xf32, #tpu.memory_space<vmem_shared>> -> memref<10240xf32, #tpu.memory_space<vmem_shared>>
      tpu.enqueue_indirect_dma source(%arg4 : memref<128xf32, #tpu.memory_space<vmem>>) target(%dma_start3A_312 : memref<10240xf32, #tpu.memory_space<vmem_shared>>) offsets(%dma_start3A_310 : memref<128xi32, #tpu.memory_space<vmem>>) semaphore(%arg8 : memref<!tpu.dma_semaphore, #tpu.memory_space<semaphore_mem>>) {add = true}
      %dma_start3A_313 = arith.constant 1 : i32
      %dma_start3A_314 = arith.constant 0 : i32
      %dma_start3A_315 = tpu.memref_slice %arg6[%dma_start3A_313, %dma_start3A_314] : memref<8x128xi32, #tpu.memory_space<vmem>> -> memref<1x128xi32, #tpu.memory_space<vmem>>
      %dma_start3A_316 = tpu.memref_squeeze %dma_start3A_315 : memref<1x128xi32, #tpu.memory_space<vmem>> -> memref<128xi32, #tpu.memory_space<vmem>>
      %dma_start3A_317 = arith.constant 0 : i32
      %dma_start3A_318 = tpu.memref_slice %arg7[%dma_start3A_317] : memref<10240xf32, #tpu.memory_space<vmem_shared>> -> memref<10240xf32, #tpu.memory_space<vmem_shared>>
      tpu.enqueue_indirect_dma source(%arg4 : memref<128xf32, #tpu.memory_space<vmem>>) target(%dma_start3A_318 : memref<10240xf32, #tpu.memory_space<vmem_shared>>) offsets(%dma_start3A_316 : memref<128xi32, #tpu.memory_space<vmem>>) semaphore(%arg8 : memref<!tpu.dma_semaphore, #tpu.memory_space<semaphore_mem>>) {add = true}
      %dma_start3A_319 = arith.constant 2 : i32
      %dma_start3A_320 = arith.constant 0 : i32
      %dma_start3A_321 = tpu.memref_slice %arg6[%dma_start3A_319, %dma_start3A_320] : memref<8x128xi32, #tpu.memory_space<vmem>> -> memref<1x128xi32, #tpu.memory_space<vmem>>
      %dma_start3A_322 = tpu.memref_squeeze %dma_start3A_321 : memref<1x128xi32, #tpu.memory_space<vmem>> -> memref<128xi32, #tpu.memory_space<vmem>>
      %dma_start3A_323 = arith.constant 0 : i32
      %dma_start3A_324 = tpu.memref_slice %arg7[%dma_start3A_323] : memref<10240xf32, #tpu.memory_space<vmem_shared>> -> memref<10240xf32, #tpu.memory_space<vmem_shared>>
      tpu.enqueue_indirect_dma source(%arg4 : memref<128xf32, #tpu.memory_space<vmem>>) target(%dma_start3A_324 : memref<10240xf32, #tpu.memory_space<vmem_shared>>) offsets(%dma_start3A_322 : memref<128xi32, #tpu.memory_space<vmem>>) semaphore(%arg8 : memref<!tpu.dma_semaphore, #tpu.memory_space<semaphore_mem>>) {add = true}
      %dma_start3A_325 = arith.constant 3 : i32
      %dma_start3A_326 = arith.constant 0 : i32
      %dma_start3A_327 = tpu.memref_slice %arg6[%dma_start3A_325, %dma_start3A_326] : memref<8x128xi32, #tpu.memory_space<vmem>> -> memref<1x128xi32, #tpu.memory_space<vmem>>
      %dma_start3A_328 = tpu.memref_squeeze %dma_start3A_327 : memref<1x128xi32, #tpu.memory_space<vmem>> -> memref<128xi32, #tpu.memory_space<vmem>>
      %dma_start3A_329 = arith.constant 0 : i32
      %dma_start3A_330 = tpu.memref_slice %arg7[%dma_start3A_329] : memref<10240xf32, #tpu.memory_space<vmem_shared>> -> memref<10240xf32, #tpu.memory_space<vmem_shared>>
      tpu.enqueue_indirect_dma source(%arg4 : memref<128xf32, #tpu.memory_space<vmem>>) target(%dma_start3A_330 : memref<10240xf32, #tpu.memory_space<vmem_shared>>) offsets(%dma_start3A_328 : memref<128xi32, #tpu.memory_space<vmem>>) semaphore(%arg8 : memref<!tpu.dma_semaphore, #tpu.memory_space<semaphore_mem>>) {add = true}
      %dma_start3A_331 = arith.constant 4 : i32
      %dma_start3A_332 = arith.constant 0 : i32
      %dma_start3A_333 = tpu.memref_slice %arg6[%dma_start3A_331, %dma_start3A_332] : memref<8x128xi32, #tpu.memory_space<vmem>> -> memref<1x128xi32, #tpu.memory_space<vmem>>
      %dma_start3A_334 = tpu.memref_squeeze %dma_start3A_333 : memref<1x128xi32, #tpu.memory_space<vmem>> -> memref<128xi32, #tpu.memory_space<vmem>>
      %dma_start3A_335 = arith.constant 0 : i32
      %dma_start3A_336 = tpu.memref_slice %arg7[%dma_start3A_335] : memref<10240xf32, #tpu.memory_space<vmem_shared>> -> memref<10240xf32, #tpu.memory_space<vmem_shared>>
      tpu.enqueue_indirect_dma source(%arg4 : memref<128xf32, #tpu.memory_space<vmem>>) target(%dma_start3A_336 : memref<10240xf32, #tpu.memory_space<vmem_shared>>) offsets(%dma_start3A_334 : memref<128xi32, #tpu.memory_space<vmem>>) semaphore(%arg8 : memref<!tpu.dma_semaphore, #tpu.memory_space<semaphore_mem>>) {add = true}
      %dma_start3A_337 = arith.constant 5 : i32
      %dma_start3A_338 = arith.constant 0 : i32
      %dma_start3A_339 = tpu.memref_slice %arg6[%dma_start3A_337, %dma_start3A_338] : memref<8x128xi32, #tpu.memory_space<vmem>> -> memref<1x128xi32, #tpu.memory_space<vmem>>
      %dma_start3A_340 = tpu.memref_squeeze %dma_start3A_339 : memref<1x128xi32, #tpu.memory_space<vmem>> -> memref<128xi32, #tpu.memory_space<vmem>>
      %dma_start3A_341 = arith.constant 0 : i32
      %dma_start3A_342 = tpu.memref_slice %arg7[%dma_start3A_341] : memref<10240xf32, #tpu.memory_space<vmem_shared>> -> memref<10240xf32, #tpu.memory_space<vmem_shared>>
      tpu.enqueue_indirect_dma source(%arg4 : memref<128xf32, #tpu.memory_space<vmem>>) target(%dma_start3A_342 : memref<10240xf32, #tpu.memory_space<vmem_shared>>) offsets(%dma_start3A_340 : memref<128xi32, #tpu.memory_space<vmem>>) semaphore(%arg8 : memref<!tpu.dma_semaphore, #tpu.memory_space<semaphore_mem>>) {add = true}
      %dma_start3A_343 = arith.constant 6 : i32
      %dma_start3A_344 = arith.constant 0 : i32
      %dma_start3A_345 = tpu.memref_slice %arg6[%dma_start3A_343, %dma_start3A_344] : memref<8x128xi32, #tpu.memory_space<vmem>> -> memref<1x128xi32, #tpu.memory_space<vmem>>
      %dma_start3A_346 = tpu.memref_squeeze %dma_start3A_345 : memref<1x128xi32, #tpu.memory_space<vmem>> -> memref<128xi32, #tpu.memory_space<vmem>>
      %dma_start3A_347 = arith.constant 0 : i32
      %dma_start3A_348 = tpu.memref_slice %arg7[%dma_start3A_347] : memref<10240xf32, #tpu.memory_space<vmem_shared>> -> memref<10240xf32, #tpu.memory_space<vmem_shared>>
      tpu.enqueue_indirect_dma source(%arg4 : memref<128xf32, #tpu.memory_space<vmem>>) target(%dma_start3A_348 : memref<10240xf32, #tpu.memory_space<vmem_shared>>) offsets(%dma_start3A_346 : memref<128xi32, #tpu.memory_space<vmem>>) semaphore(%arg8 : memref<!tpu.dma_semaphore, #tpu.memory_space<semaphore_mem>>) {add = true}
      %dma_start3A_349 = arith.constant 7 : i32
      %dma_start3A_350 = arith.constant 0 : i32
      %dma_start3A_351 = tpu.memref_slice %arg6[%dma_start3A_349, %dma_start3A_350] : memref<8x128xi32, #tpu.memory_space<vmem>> -> memref<1x128xi32, #tpu.memory_space<vmem>>
      %dma_start3A_352 = tpu.memref_squeeze %dma_start3A_351 : memref<1x128xi32, #tpu.memory_space<vmem>> -> memref<128xi32, #tpu.memory_space<vmem>>
      %dma_start3A_353 = arith.constant 0 : i32
      %dma_start3A_354 = tpu.memref_slice %arg7[%dma_start3A_353] : memref<10240xf32, #tpu.memory_space<vmem_shared>> -> memref<10240xf32, #tpu.memory_space<vmem_shared>>
      tpu.enqueue_indirect_dma source(%arg4 : memref<128xf32, #tpu.memory_space<vmem>>) target(%dma_start3A_354 : memref<10240xf32, #tpu.memory_space<vmem_shared>>) offsets(%dma_start3A_352 : memref<128xi32, #tpu.memory_space<vmem>>) semaphore(%arg8 : memref<!tpu.dma_semaphore, #tpu.memory_space<semaphore_mem>>) {add = true}
      %dma_wait3A = arith.constant 0 : i32
      %dma_wait3A_355 = arith.constant 0 : i32
      %dma_wait3A_356 = tpu.memref_slice %arg6[%dma_wait3A, %dma_wait3A_355] : memref<8x128xi32, #tpu.memory_space<vmem>> -> memref<1x128xi32, #tpu.memory_space<vmem>>
      %dma_wait3A_357 = tpu.memref_squeeze %dma_wait3A_356 : memref<1x128xi32, #tpu.memory_space<vmem>> -> memref<128xi32, #tpu.memory_space<vmem>>
      %dma_wait3A_358 = arith.constant 0 : i32
      %dma_wait3A_359 = tpu.memref_slice %arg7[%dma_wait3A_358] : memref<10240xf32, #tpu.memory_space<vmem_shared>> -> memref<10240xf32, #tpu.memory_space<vmem_shared>>
      tpu.wait_indirect_dma semaphore(%arg8 : memref<!tpu.dma_semaphore, #tpu.memory_space<semaphore_mem>>) src(%arg4 : memref<128xf32, #tpu.memory_space<vmem>>) dst(%dma_wait3A_359 : memref<10240xf32, #tpu.memory_space<vmem_shared>>)
      %dma_wait3A_360 = arith.constant 1 : i32
      %dma_wait3A_361 = arith.constant 0 : i32
      %dma_wait3A_362 = tpu.memref_slice %arg6[%dma_wait3A_360, %dma_wait3A_361] : memref<8x128xi32, #tpu.memory_space<vmem>> -> memref<1x128xi32, #tpu.memory_space<vmem>>
      %dma_wait3A_363 = tpu.memref_squeeze %dma_wait3A_362 : memref<1x128xi32, #tpu.memory_space<vmem>> -> memref<128xi32, #tpu.memory_space<vmem>>
      %dma_wait3A_364 = arith.constant 0 : i32
      %dma_wait3A_365 = tpu.memref_slice %arg7[%dma_wait3A_364] : memref<10240xf32, #tpu.memory_space<vmem_shared>> -> memref<10240xf32, #tpu.memory_space<vmem_shared>>
      tpu.wait_indirect_dma semaphore(%arg8 : memref<!tpu.dma_semaphore, #tpu.memory_space<semaphore_mem>>) src(%arg4 : memref<128xf32, #tpu.memory_space<vmem>>) dst(%dma_wait3A_365 : memref<10240xf32, #tpu.memory_space<vmem_shared>>)
      %dma_wait3A_366 = arith.constant 2 : i32
      %dma_wait3A_367 = arith.constant 0 : i32
      %dma_wait3A_368 = tpu.memref_slice %arg6[%dma_wait3A_366, %dma_wait3A_367] : memref<8x128xi32, #tpu.memory_space<vmem>> -> memref<1x128xi32, #tpu.memory_space<vmem>>
      %dma_wait3A_369 = tpu.memref_squeeze %dma_wait3A_368 : memref<1x128xi32, #tpu.memory_space<vmem>> -> memref<128xi32, #tpu.memory_space<vmem>>
      %dma_wait3A_370 = arith.constant 0 : i32
      %dma_wait3A_371 = tpu.memref_slice %arg7[%dma_wait3A_370] : memref<10240xf32, #tpu.memory_space<vmem_shared>> -> memref<10240xf32, #tpu.memory_space<vmem_shared>>
      tpu.wait_indirect_dma semaphore(%arg8 : memref<!tpu.dma_semaphore, #tpu.memory_space<semaphore_mem>>) src(%arg4 : memref<128xf32, #tpu.memory_space<vmem>>) dst(%dma_wait3A_371 : memref<10240xf32, #tpu.memory_space<vmem_shared>>)
      %dma_wait3A_372 = arith.constant 3 : i32
      %dma_wait3A_373 = arith.constant 0 : i32
      %dma_wait3A_374 = tpu.memref_slice %arg6[%dma_wait3A_372, %dma_wait3A_373] : memref<8x128xi32, #tpu.memory_space<vmem>> -> memref<1x128xi32, #tpu.memory_space<vmem>>
      %dma_wait3A_375 = tpu.memref_squeeze %dma_wait3A_374 : memref<1x128xi32, #tpu.memory_space<vmem>> -> memref<128xi32, #tpu.memory_space<vmem>>
      %dma_wait3A_376 = arith.constant 0 : i32
      %dma_wait3A_377 = tpu.memref_slice %arg7[%dma_wait3A_376] : memref<10240xf32, #tpu.memory_space<vmem_shared>> -> memref<10240xf32, #tpu.memory_space<vmem_shared>>
      tpu.wait_indirect_dma semaphore(%arg8 : memref<!tpu.dma_semaphore, #tpu.memory_space<semaphore_mem>>) src(%arg4 : memref<128xf32, #tpu.memory_space<vmem>>) dst(%dma_wait3A_377 : memref<10240xf32, #tpu.memory_space<vmem_shared>>)
      %dma_wait3A_378 = arith.constant 4 : i32
      %dma_wait3A_379 = arith.constant 0 : i32
      %dma_wait3A_380 = tpu.memref_slice %arg6[%dma_wait3A_378, %dma_wait3A_379] : memref<8x128xi32, #tpu.memory_space<vmem>> -> memref<1x128xi32, #tpu.memory_space<vmem>>
      %dma_wait3A_381 = tpu.memref_squeeze %dma_wait3A_380 : memref<1x128xi32, #tpu.memory_space<vmem>> -> memref<128xi32, #tpu.memory_space<vmem>>
      %dma_wait3A_382 = arith.constant 0 : i32
      %dma_wait3A_383 = tpu.memref_slice %arg7[%dma_wait3A_382] : memref<10240xf32, #tpu.memory_space<vmem_shared>> -> memref<10240xf32, #tpu.memory_space<vmem_shared>>
      tpu.wait_indirect_dma semaphore(%arg8 : memref<!tpu.dma_semaphore, #tpu.memory_space<semaphore_mem>>) src(%arg4 : memref<128xf32, #tpu.memory_space<vmem>>) dst(%dma_wait3A_383 : memref<10240xf32, #tpu.memory_space<vmem_shared>>)
      %dma_wait3A_384 = arith.constant 5 : i32
      %dma_wait3A_385 = arith.constant 0 : i32
      %dma_wait3A_386 = tpu.memref_slice %arg6[%dma_wait3A_384, %dma_wait3A_385] : memref<8x128xi32, #tpu.memory_space<vmem>> -> memref<1x128xi32, #tpu.memory_space<vmem>>
      %dma_wait3A_387 = tpu.memref_squeeze %dma_wait3A_386 : memref<1x128xi32, #tpu.memory_space<vmem>> -> memref<128xi32, #tpu.memory_space<vmem>>
      %dma_wait3A_388 = arith.constant 0 : i32
      %dma_wait3A_389 = tpu.memref_slice %arg7[%dma_wait3A_388] : memref<10240xf32, #tpu.memory_space<vmem_shared>> -> memref<10240xf32, #tpu.memory_space<vmem_shared>>
      tpu.wait_indirect_dma semaphore(%arg8 : memref<!tpu.dma_semaphore, #tpu.memory_space<semaphore_mem>>) src(%arg4 : memref<128xf32, #tpu.memory_space<vmem>>) dst(%dma_wait3A_389 : memref<10240xf32, #tpu.memory_space<vmem_shared>>)
      %dma_wait3A_390 = arith.constant 6 : i32
      %dma_wait3A_391 = arith.constant 0 : i32
      %dma_wait3A_392 = tpu.memref_slice %arg6[%dma_wait3A_390, %dma_wait3A_391] : memref<8x128xi32, #tpu.memory_space<vmem>> -> memref<1x128xi32, #tpu.memory_space<vmem>>
      %dma_wait3A_393 = tpu.memref_squeeze %dma_wait3A_392 : memref<1x128xi32, #tpu.memory_space<vmem>> -> memref<128xi32, #tpu.memory_space<vmem>>
      %dma_wait3A_394 = arith.constant 0 : i32
      %dma_wait3A_395 = tpu.memref_slice %arg7[%dma_wait3A_394] : memref<10240xf32, #tpu.memory_space<vmem_shared>> -> memref<10240xf32, #tpu.memory_space<vmem_shared>>
      tpu.wait_indirect_dma semaphore(%arg8 : memref<!tpu.dma_semaphore, #tpu.memory_space<semaphore_mem>>) src(%arg4 : memref<128xf32, #tpu.memory_space<vmem>>) dst(%dma_wait3A_395 : memref<10240xf32, #tpu.memory_space<vmem_shared>>)
      %dma_wait3A_396 = arith.constant 7 : i32
      %dma_wait3A_397 = arith.constant 0 : i32
      %dma_wait3A_398 = tpu.memref_slice %arg6[%dma_wait3A_396, %dma_wait3A_397] : memref<8x128xi32, #tpu.memory_space<vmem>> -> memref<1x128xi32, #tpu.memory_space<vmem>>
      %dma_wait3A_399 = tpu.memref_squeeze %dma_wait3A_398 : memref<1x128xi32, #tpu.memory_space<vmem>> -> memref<128xi32, #tpu.memory_space<vmem>>
      %dma_wait3A_400 = arith.constant 0 : i32
      %dma_wait3A_401 = tpu.memref_slice %arg7[%dma_wait3A_400] : memref<10240xf32, #tpu.memory_space<vmem_shared>> -> memref<10240xf32, #tpu.memory_space<vmem_shared>>
      tpu.wait_indirect_dma semaphore(%arg8 : memref<!tpu.dma_semaphore, #tpu.memory_space<semaphore_mem>>) src(%arg4 : memref<128xf32, #tpu.memory_space<vmem>>) dst(%dma_wait3A_401 : memref<10240xf32, #tpu.memory_space<vmem_shared>>)
    }
    %scan3A_292 = arith.constant 10 : i32
    %barrier3A_293 = arith.constant 0 : index
    tpu.barrier barrier_id(%barrier3A_293)
    %mul3A_294 = arith.constant 640 : i32
    %mul3A_295 = arith.muli %arg1, %mul3A_294 : i32
    %mul3A_296 = arith.constant 640 : i32
    %mul3A_297 = arith.muli %arg1, %mul3A_296 : i32
    "tpu.region"() ({
      %run_scoped3A = tpu.sem_alloc : memref<!tpu.dma_semaphore, #tpu.memory_space<semaphore_mem>>
      %dma_start3A = tpu.memref_slice %arg3[%arg0, %mul3A_297] : memref<2x10240xf32, #tpu.memory_space<hbm>> -> memref<1x640xf32, #tpu.memory_space<hbm>>
      %dma_start3A_298 = tpu.memref_squeeze %dma_start3A : memref<1x640xf32, #tpu.memory_space<hbm>> -> memref<640xf32, #tpu.memory_space<hbm>>
      %dma_start3A_299 = tpu.memref_slice %arg7[%mul3A_295] : memref<10240xf32, #tpu.memory_space<vmem_shared>> -> memref<640xf32, #tpu.memory_space<vmem_shared>>
      tpu.enqueue_dma source(%dma_start3A_299 : memref<640xf32, #tpu.memory_space<vmem_shared>>) target(%dma_start3A_298 : memref<640xf32, #tpu.memory_space<hbm>>) target_semaphore(%run_scoped3A : memref<!tpu.dma_semaphore, #tpu.memory_space<semaphore_mem>>)
      %dma_wait3A = tpu.memref_slice %arg3[%arg0, %mul3A_297] : memref<2x10240xf32, #tpu.memory_space<hbm>> -> memref<1x640xf32, #tpu.memory_space<hbm>>
      %dma_wait3A_300 = tpu.memref_squeeze %dma_wait3A : memref<1x640xf32, #tpu.memory_space<hbm>> -> memref<640xf32, #tpu.memory_space<hbm>>
      %dma_wait3A_301 = tpu.memref_slice %arg7[%mul3A_295] : memref<10240xf32, #tpu.memory_space<vmem_shared>> -> memref<640xf32, #tpu.memory_space<vmem_shared>>
      tpu.wait_dma2 semaphore(%run_scoped3A : memref<!tpu.dma_semaphore, #tpu.memory_space<semaphore_mem>>) src(%dma_wait3A_301 : memref<640xf32, #tpu.memory_space<vmem_shared>>) dst(%dma_wait3A_300 : memref<640xf32, #tpu.memory_space<hbm>>)
      tpu.yield
    }) : () -> ()
    return
  }
}

#map = affine_map<(d0, d1) -> (0)>
#map1 = affine_map<(d0, d1) -> (0, 0)>
#map2 = affine_map<(d0, d1) -> (0, 0, 0)>
module attributes {stable_mosaic.version = 14 : i64} {
  func.func @_msg_kernel(%arg0: i32, %arg1: i32, %arg2: memref<323584xi32, #tpu.memory_space<hbm>>, %arg3: memref<323584xi32, #tpu.memory_space<hbm>>, %arg4: memref<10000x128xf32, #tpu.memory_space<hbm>>, %arg5: memref<2x10240x128xf32, #tpu.memory_space<hbm>>, %arg6: memref<128x128xf32, #tpu.memory_space<vmem>>, %arg7: memref<128x128xf32, #tpu.memory_space<vmem>>, %arg8: memref<128xi32, #tpu.memory_space<vmem>>, %arg9: memref<128xi32, #tpu.memory_space<vmem>>, %arg10: memref<128xi32, #tpu.memory_space<vmem>>, %arg11: memref<128xi32, #tpu.memory_space<vmem>>, %arg12: memref<10240x128xf32, #tpu.memory_space<vmem_shared>>, %arg13: memref<!tpu.dma_semaphore, #tpu.memory_space<semaphore_mem>>, %arg14: memref<!tpu.dma_semaphore, #tpu.memory_space<semaphore_mem>>) attributes {dimension_semantics = [#tpu.dimension_semantics<core_parallel>, #tpu.dimension_semantics<subcore_parallel>], iteration_bounds = array<i64: 2, 16>, scalar_prefetch = 0 : i64, scratch_operands = 9 : i64, tpu.core_type = #tpu.core_type<sc_vector_subcore>, window_params = [{transform_indices = #map}, {transform_indices = #map}, {transform_indices = #map1}, {transform_indices = #map2}]} {
    %mul3A = arith.constant 16 : i32
    %mul3A_0 = arith.muli %arg0, %mul3A : i32
    %add3A = arith.addi %mul3A_0, %arg1 : i32
    %scan3A = arith.constant 0 : i32
    %scan3A_1 = arith.constant 128 : i32
    %scan3A_2 = arith.addi %scan3A, %scan3A_1 : i32
    %scan3A_3 = arith.constant 1 : i32
    scf.for %scan3A_81 = %scan3A to %scan3A_2 step %scan3A_3  : i32 {
      %mul3A_82 = arith.constant 1 : i32
      %mul3A_83 = arith.muli %scan3A_81, %mul3A_82 : i32
      %add3A_84 = arith.constant 0 : i32
      %add3A_85 = arith.addi %add3A_84, %mul3A_83 : i32
      %broadcast_in_dim3A = arith.constant 0.000000e+00 : f32
      %broadcast_in_dim3A_86 = vector.broadcast %broadcast_in_dim3A : f32 to vector<16xf32>
      %swap3A = arith.index_cast %add3A_85 : i32 to index
      %swap3A_87 = arith.constant 0 : index
      %swap3A_88 = tpu.vector_load %arg6[%swap3A, %swap3A_87] {strides = array<i32>} : memref<128x128xf32, #tpu.memory_space<vmem>>, vector<1x16xf32>,
      %swap3A_89 = vector.shape_cast %swap3A_88 : vector<1x16xf32> to vector<16xf32>
      %swap3A_90 = vector.shape_cast %broadcast_in_dim3A_86 : vector<16xf32> to vector<1x16xf32>
      tpu.vector_store %arg6[%swap3A, %swap3A_87], %swap3A_90 {strides = array<i32>} : memref<128x128xf32, #tpu.memory_space<vmem>>, vector<1x16xf32>,
      %broadcast_in_dim3A_91 = arith.constant 0.000000e+00 : f32
      %broadcast_in_dim3A_92 = vector.broadcast %broadcast_in_dim3A_91 : f32 to vector<16xf32>
      %swap3A_93 = arith.index_cast %add3A_85 : i32 to index
      %swap3A_94 = arith.constant 16 : index
      %swap3A_95 = tpu.vector_load %arg6[%swap3A_93, %swap3A_94] {strides = array<i32>} : memref<128x128xf32, #tpu.memory_space<vmem>>, vector<1x16xf32>,
      %swap3A_96 = vector.shape_cast %swap3A_95 : vector<1x16xf32> to vector<16xf32>
      %swap3A_97 = vector.shape_cast %broadcast_in_dim3A_92 : vector<16xf32> to vector<1x16xf32>
      tpu.vector_store %arg6[%swap3A_93, %swap3A_94], %swap3A_97 {strides = array<i32>} : memref<128x128xf32, #tpu.memory_space<vmem>>, vector<1x16xf32>,
      %broadcast_in_dim3A_98 = arith.constant 0.000000e+00 : f32
      %broadcast_in_dim3A_99 = vector.broadcast %broadcast_in_dim3A_98 : f32 to vector<16xf32>
      %swap3A_100 = arith.index_cast %add3A_85 : i32 to index
      %swap3A_101 = arith.constant 32 : index
      %swap3A_102 = tpu.vector_load %arg6[%swap3A_100, %swap3A_101] {strides = array<i32>} : memref<128x128xf32, #tpu.memory_space<vmem>>, vector<1x16xf32>,
      %swap3A_103 = vector.shape_cast %swap3A_102 : vector<1x16xf32> to vector<16xf32>
      %swap3A_104 = vector.shape_cast %broadcast_in_dim3A_99 : vector<16xf32> to vector<1x16xf32>
      tpu.vector_store %arg6[%swap3A_100, %swap3A_101], %swap3A_104 {strides = array<i32>} : memref<128x128xf32, #tpu.memory_space<vmem>>, vector<1x16xf32>,
      %broadcast_in_dim3A_105 = arith.constant 0.000000e+00 : f32
      %broadcast_in_dim3A_106 = vector.broadcast %broadcast_in_dim3A_105 : f32 to vector<16xf32>
      %swap3A_107 = arith.index_cast %add3A_85 : i32 to index
      %swap3A_108 = arith.constant 48 : index
      %swap3A_109 = tpu.vector_load %arg6[%swap3A_107, %swap3A_108] {strides = array<i32>} : memref<128x128xf32, #tpu.memory_space<vmem>>, vector<1x16xf32>,
      %swap3A_110 = vector.shape_cast %swap3A_109 : vector<1x16xf32> to vector<16xf32>
      %swap3A_111 = vector.shape_cast %broadcast_in_dim3A_106 : vector<16xf32> to vector<1x16xf32>
      tpu.vector_store %arg6[%swap3A_107, %swap3A_108], %swap3A_111 {strides = array<i32>} : memref<128x128xf32, #tpu.memory_space<vmem>>, vector<1x16xf32>,
      %broadcast_in_dim3A_112 = arith.constant 0.000000e+00 : f32
      %broadcast_in_dim3A_113 = vector.broadcast %broadcast_in_dim3A_112 : f32 to vector<16xf32>
      %swap3A_114 = arith.index_cast %add3A_85 : i32 to index
      %swap3A_115 = arith.constant 64 : index
      %swap3A_116 = tpu.vector_load %arg6[%swap3A_114, %swap3A_115] {strides = array<i32>} : memref<128x128xf32, #tpu.memory_space<vmem>>, vector<1x16xf32>,
      %swap3A_117 = vector.shape_cast %swap3A_116 : vector<1x16xf32> to vector<16xf32>
      %swap3A_118 = vector.shape_cast %broadcast_in_dim3A_113 : vector<16xf32> to vector<1x16xf32>
      tpu.vector_store %arg6[%swap3A_114, %swap3A_115], %swap3A_118 {strides = array<i32>} : memref<128x128xf32, #tpu.memory_space<vmem>>, vector<1x16xf32>,
      %broadcast_in_dim3A_119 = arith.constant 0.000000e+00 : f32
      %broadcast_in_dim3A_120 = vector.broadcast %broadcast_in_dim3A_119 : f32 to vector<16xf32>
      %swap3A_121 = arith.index_cast %add3A_85 : i32 to index
      %swap3A_122 = arith.constant 80 : index
      %swap3A_123 = tpu.vector_load %arg6[%swap3A_121, %swap3A_122] {strides = array<i32>} : memref<128x128xf32, #tpu.memory_space<vmem>>, vector<1x16xf32>,
      %swap3A_124 = vector.shape_cast %swap3A_123 : vector<1x16xf32> to vector<16xf32>
      %swap3A_125 = vector.shape_cast %broadcast_in_dim3A_120 : vector<16xf32> to vector<1x16xf32>
      tpu.vector_store %arg6[%swap3A_121, %swap3A_122], %swap3A_125 {strides = array<i32>} : memref<128x128xf32, #tpu.memory_space<vmem>>, vector<1x16xf32>,
      %broadcast_in_dim3A_126 = arith.constant 0.000000e+00 : f32
      %broadcast_in_dim3A_127 = vector.broadcast %broadcast_in_dim3A_126 : f32 to vector<16xf32>
      %swap3A_128 = arith.index_cast %add3A_85 : i32 to index
      %swap3A_129 = arith.constant 96 : index
      %swap3A_130 = tpu.vector_load %arg6[%swap3A_128, %swap3A_129] {strides = array<i32>} : memref<128x128xf32, #tpu.memory_space<vmem>>, vector<1x16xf32>,
      %swap3A_131 = vector.shape_cast %swap3A_130 : vector<1x16xf32> to vector<16xf32>
      %swap3A_132 = vector.shape_cast %broadcast_in_dim3A_127 : vector<16xf32> to vector<1x16xf32>
      tpu.vector_store %arg6[%swap3A_128, %swap3A_129], %swap3A_132 {strides = array<i32>} : memref<128x128xf32, #tpu.memory_space<vmem>>, vector<1x16xf32>,
      %broadcast_in_dim3A_133 = arith.constant 0.000000e+00 : f32
      %broadcast_in_dim3A_134 = vector.broadcast %broadcast_in_dim3A_133 : f32 to vector<16xf32>
      %swap3A_135 = arith.index_cast %add3A_85 : i32 to index
      %swap3A_136 = arith.constant 112 : index
      %swap3A_137 = tpu.vector_load %arg6[%swap3A_135, %swap3A_136] {strides = array<i32>} : memref<128x128xf32, #tpu.memory_space<vmem>>, vector<1x16xf32>,
      %swap3A_138 = vector.shape_cast %swap3A_137 : vector<1x16xf32> to vector<16xf32>
      %swap3A_139 = vector.shape_cast %broadcast_in_dim3A_134 : vector<16xf32> to vector<1x16xf32>
      tpu.vector_store %arg6[%swap3A_135, %swap3A_136], %swap3A_139 {strides = array<i32>} : memref<128x128xf32, #tpu.memory_space<vmem>>, vector<1x16xf32>,
    }
    %scan3A_4 = arith.constant 128 : i32
    %mul3A_5 = arith.constant 640 : i32
    %mul3A_6 = arith.muli %arg1, %mul3A_5 : i32
    %add3A_7 = arith.constant 0 : i32
    %add3A_8 = arith.addi %mul3A_6, %add3A_7 : i32
    "tpu.region"() ({
      %run_scoped3A = tpu.sem_alloc : memref<!tpu.dma_semaphore, #tpu.memory_space<semaphore_mem>>
      %dma_start3A_81 = arith.constant 0 : i32
      %dma_start3A_82 = tpu.memref_slice %arg12[%add3A_8, %dma_start3A_81] : memref<10240x128xf32, #tpu.memory_space<vmem_shared>> -> memref<128x128xf32, #tpu.memory_space<vmem_shared>>
      %dma_start3A_83 = arith.constant 0 : i32
      %dma_start3A_84 = tpu.memref_slice %arg12[%add3A_8, %dma_start3A_83] : memref<10240x128xf32, #tpu.memory_space<vmem_shared>> -> memref<128x128xf32, #tpu.memory_space<vmem_shared>>
      tpu.enqueue_dma source(%arg6 : memref<128x128xf32, #tpu.memory_space<vmem>>) target(%dma_start3A_84 : memref<128x128xf32, #tpu.memory_space<vmem_shared>>) target_semaphore(%run_scoped3A : memref<!tpu.dma_semaphore, #tpu.memory_space<semaphore_mem>>)
      %dma_wait3A_85 = arith.constant 0 : i32
      %dma_wait3A_86 = tpu.memref_slice %arg12[%add3A_8, %dma_wait3A_85] : memref<10240x128xf32, #tpu.memory_space<vmem_shared>> -> memref<128x128xf32, #tpu.memory_space<vmem_shared>>
      %dma_wait3A_87 = arith.constant 0 : i32
      %dma_wait3A_88 = tpu.memref_slice %arg12[%add3A_8, %dma_wait3A_87] : memref<10240x128xf32, #tpu.memory_space<vmem_shared>> -> memref<128x128xf32, #tpu.memory_space<vmem_shared>>
      tpu.wait_dma2 semaphore(%run_scoped3A : memref<!tpu.dma_semaphore, #tpu.memory_space<semaphore_mem>>) src(%arg6 : memref<128x128xf32, #tpu.memory_space<vmem>>) dst(%dma_wait3A_88 : memref<128x128xf32, #tpu.memory_space<vmem_shared>>)
      tpu.yield
    }) : () -> ()
    %mul3A_9 = arith.constant 640 : i32
    %mul3A_10 = arith.muli %arg1, %mul3A_9 : i32
    %add3A_11 = arith.constant 128 : i32
    %add3A_12 = arith.addi %mul3A_10, %add3A_11 : i32
    "tpu.region"() ({
      %run_scoped3A = tpu.sem_alloc : memref<!tpu.dma_semaphore, #tpu.memory_space<semaphore_mem>>
      %dma_start3A_81 = arith.constant 0 : i32
      %dma_start3A_82 = tpu.memref_slice %arg12[%add3A_12, %dma_start3A_81] : memref<10240x128xf32, #tpu.memory_space<vmem_shared>> -> memref<128x128xf32, #tpu.memory_space<vmem_shared>>
      %dma_start3A_83 = arith.constant 0 : i32
      %dma_start3A_84 = tpu.memref_slice %arg12[%add3A_12, %dma_start3A_83] : memref<10240x128xf32, #tpu.memory_space<vmem_shared>> -> memref<128x128xf32, #tpu.memory_space<vmem_shared>>
      tpu.enqueue_dma source(%arg6 : memref<128x128xf32, #tpu.memory_space<vmem>>) target(%dma_start3A_84 : memref<128x128xf32, #tpu.memory_space<vmem_shared>>) target_semaphore(%run_scoped3A : memref<!tpu.dma_semaphore, #tpu.memory_space<semaphore_mem>>)
      %dma_wait3A_85 = arith.constant 0 : i32
      %dma_wait3A_86 = tpu.memref_slice %arg12[%add3A_12, %dma_wait3A_85] : memref<10240x128xf32, #tpu.memory_space<vmem_shared>> -> memref<128x128xf32, #tpu.memory_space<vmem_shared>>
      %dma_wait3A_87 = arith.constant 0 : i32
      %dma_wait3A_88 = tpu.memref_slice %arg12[%add3A_12, %dma_wait3A_87] : memref<10240x128xf32, #tpu.memory_space<vmem_shared>> -> memref<128x128xf32, #tpu.memory_space<vmem_shared>>
      tpu.wait_dma2 semaphore(%run_scoped3A : memref<!tpu.dma_semaphore, #tpu.memory_space<semaphore_mem>>) src(%arg6 : memref<128x128xf32, #tpu.memory_space<vmem>>) dst(%dma_wait3A_88 : memref<128x128xf32, #tpu.memory_space<vmem_shared>>)
      tpu.yield
    }) : () -> ()
    %mul3A_13 = arith.constant 640 : i32
    %mul3A_14 = arith.muli %arg1, %mul3A_13 : i32
    %add3A_15 = arith.constant 256 : i32
    %add3A_16 = arith.addi %mul3A_14, %add3A_15 : i32
    "tpu.region"() ({
      %run_scoped3A = tpu.sem_alloc : memref<!tpu.dma_semaphore, #tpu.memory_space<semaphore_mem>>
      %dma_start3A_81 = arith.constant 0 : i32
      %dma_start3A_82 = tpu.memref_slice %arg12[%add3A_16, %dma_start3A_81] : memref<10240x128xf32, #tpu.memory_space<vmem_shared>> -> memref<128x128xf32, #tpu.memory_space<vmem_shared>>
      %dma_start3A_83 = arith.constant 0 : i32
      %dma_start3A_84 = tpu.memref_slice %arg12[%add3A_16, %dma_start3A_83] : memref<10240x128xf32, #tpu.memory_space<vmem_shared>> -> memref<128x128xf32, #tpu.memory_space<vmem_shared>>
      tpu.enqueue_dma source(%arg6 : memref<128x128xf32, #tpu.memory_space<vmem>>) target(%dma_start3A_84 : memref<128x128xf32, #tpu.memory_space<vmem_shared>>) target_semaphore(%run_scoped3A : memref<!tpu.dma_semaphore, #tpu.memory_space<semaphore_mem>>)
      %dma_wait3A_85 = arith.constant 0 : i32
      %dma_wait3A_86 = tpu.memref_slice %arg12[%add3A_16, %dma_wait3A_85] : memref<10240x128xf32, #tpu.memory_space<vmem_shared>> -> memref<128x128xf32, #tpu.memory_space<vmem_shared>>
      %dma_wait3A_87 = arith.constant 0 : i32
      %dma_wait3A_88 = tpu.memref_slice %arg12[%add3A_16, %dma_wait3A_87] : memref<10240x128xf32, #tpu.memory_space<vmem_shared>> -> memref<128x128xf32, #tpu.memory_space<vmem_shared>>
      tpu.wait_dma2 semaphore(%run_scoped3A : memref<!tpu.dma_semaphore, #tpu.memory_space<semaphore_mem>>) src(%arg6 : memref<128x128xf32, #tpu.memory_space<vmem>>) dst(%dma_wait3A_88 : memref<128x128xf32, #tpu.memory_space<vmem_shared>>)
      tpu.yield
    }) : () -> ()
    %mul3A_17 = arith.constant 640 : i32
    %mul3A_18 = arith.muli %arg1, %mul3A_17 : i32
    %add3A_19 = arith.constant 384 : i32
    %add3A_20 = arith.addi %mul3A_18, %add3A_19 : i32
    "tpu.region"() ({
      %run_scoped3A = tpu.sem_alloc : memref<!tpu.dma_semaphore, #tpu.memory_space<semaphore_mem>>
      %dma_start3A_81 = arith.constant 0 : i32
      %dma_start3A_82 = tpu.memref_slice %arg12[%add3A_20, %dma_start3A_81] : memref<10240x128xf32, #tpu.memory_space<vmem_shared>> -> memref<128x128xf32, #tpu.memory_space<vmem_shared>>
      %dma_start3A_83 = arith.constant 0 : i32
      %dma_start3A_84 = tpu.memref_slice %arg12[%add3A_20, %dma_start3A_83] : memref<10240x128xf32, #tpu.memory_space<vmem_shared>> -> memref<128x128xf32, #tpu.memory_space<vmem_shared>>
      tpu.enqueue_dma source(%arg6 : memref<128x128xf32, #tpu.memory_space<vmem>>) target(%dma_start3A_84 : memref<128x128xf32, #tpu.memory_space<vmem_shared>>) target_semaphore(%run_scoped3A : memref<!tpu.dma_semaphore, #tpu.memory_space<semaphore_mem>>)
      %dma_wait3A_85 = arith.constant 0 : i32
      %dma_wait3A_86 = tpu.memref_slice %arg12[%add3A_20, %dma_wait3A_85] : memref<10240x128xf32, #tpu.memory_space<vmem_shared>> -> memref<128x128xf32, #tpu.memory_space<vmem_shared>>
      %dma_wait3A_87 = arith.constant 0 : i32
      %dma_wait3A_88 = tpu.memref_slice %arg12[%add3A_20, %dma_wait3A_87] : memref<10240x128xf32, #tpu.memory_space<vmem_shared>> -> memref<128x128xf32, #tpu.memory_space<vmem_shared>>
      tpu.wait_dma2 semaphore(%run_scoped3A : memref<!tpu.dma_semaphore, #tpu.memory_space<semaphore_mem>>) src(%arg6 : memref<128x128xf32, #tpu.memory_space<vmem>>) dst(%dma_wait3A_88 : memref<128x128xf32, #tpu.memory_space<vmem_shared>>)
      tpu.yield
    }) : () -> ()
    %mul3A_21 = arith.constant 640 : i32
    %mul3A_22 = arith.muli %arg1, %mul3A_21 : i32
    %add3A_23 = arith.constant 512 : i32
    %add3A_24 = arith.addi %mul3A_22, %add3A_23 : i32
    "tpu.region"() ({
      %run_scoped3A = tpu.sem_alloc : memref<!tpu.dma_semaphore, #tpu.memory_space<semaphore_mem>>
      %dma_start3A_81 = arith.constant 0 : i32
      %dma_start3A_82 = tpu.memref_slice %arg12[%add3A_24, %dma_start3A_81] : memref<10240x128xf32, #tpu.memory_space<vmem_shared>> -> memref<128x128xf32, #tpu.memory_space<vmem_shared>>
      %dma_start3A_83 = arith.constant 0 : i32
      %dma_start3A_84 = tpu.memref_slice %arg12[%add3A_24, %dma_start3A_83] : memref<10240x128xf32, #tpu.memory_space<vmem_shared>> -> memref<128x128xf32, #tpu.memory_space<vmem_shared>>
      tpu.enqueue_dma source(%arg6 : memref<128x128xf32, #tpu.memory_space<vmem>>) target(%dma_start3A_84 : memref<128x128xf32, #tpu.memory_space<vmem_shared>>) target_semaphore(%run_scoped3A : memref<!tpu.dma_semaphore, #tpu.memory_space<semaphore_mem>>)
      %dma_wait3A_85 = arith.constant 0 : i32
      %dma_wait3A_86 = tpu.memref_slice %arg12[%add3A_24, %dma_wait3A_85] : memref<10240x128xf32, #tpu.memory_space<vmem_shared>> -> memref<128x128xf32, #tpu.memory_space<vmem_shared>>
      %dma_wait3A_87 = arith.constant 0 : i32
      %dma_wait3A_88 = tpu.memref_slice %arg12[%add3A_24, %dma_wait3A_87] : memref<10240x128xf32, #tpu.memory_space<vmem_shared>> -> memref<128x128xf32, #tpu.memory_space<vmem_shared>>
      tpu.wait_dma2 semaphore(%run_scoped3A : memref<!tpu.dma_semaphore, #tpu.memory_space<semaphore_mem>>) src(%arg6 : memref<128x128xf32, #tpu.memory_space<vmem>>) dst(%dma_wait3A_88 : memref<128x128xf32, #tpu.memory_space<vmem_shared>>)
      tpu.yield
    }) : () -> ()
    %barrier3A = arith.constant 0 : index
    tpu.barrier barrier_id(%barrier3A)
    %eq3A = arith.constant 0 : i32
    %eq3A_25 = arith.cmpi eq, %arg0, %eq3A : i32
    %jit3A = arith.constant 95 : i32
    %jit3A_26 = arith.constant 63 : i32
    %select_n3A = arith.select %eq3A_25, %jit3A, %jit3A_26 : i32
    %eq3A_27 = arith.constant 0 : i32
    %eq3A_28 = arith.cmpi eq, %arg0, %eq3A_27 : i32
    %mul3A_29 = arith.constant 95 : i32
    %mul3A_30 = arith.muli %arg1, %mul3A_29 : i32
    %mul3A_31 = arith.constant 63 : i32
    %mul3A_32 = arith.muli %arg1, %mul3A_31 : i32
    %add3A_33 = arith.constant 1520 : i32
    %add3A_34 = arith.addi %add3A_33, %mul3A_32 : i32
    %select_n3A_35 = arith.select %eq3A_28, %mul3A_30, %add3A_34 : i32
    %mul3A_36 = arith.constant 128 : i32
    %mul3A_37 = arith.muli %select_n3A_35, %mul3A_36 : i32
    %sub3A = arith.constant 1 : i32
    %sub3A_38 = arith.subi %select_n3A, %sub3A : i32
    %jit3A_39 = arith.constant 2 : i32
    %div3A = arith.divsi %sub3A_38, %jit3A_39 : i32
    %sign3A = arith.constant 0 : i32
    %sign3A_40 = arith.cmpi sgt, %sub3A_38, %sign3A : i32
    %sign3A_41 = arith.extui %sign3A_40 : i1 to i32
    %sign3A_42 = arith.constant 0 : i32
    %sign3A_43 = arith.cmpi slt, %sub3A_38, %sign3A_42 : i32
    %sign3A_44 = arith.extui %sign3A_43 : i1 to i32
    %sign3A_45 = arith.subi %sign3A_41, %sign3A_44 : i32
    %sign3A_46 = arith.constant 0 : i32
    %sign3A_47 = arith.cmpi sgt, %jit3A_39, %sign3A_46 : i32
    %sign3A_48 = arith.extui %sign3A_47 : i1 to i32
    %sign3A_49 = arith.constant 0 : i32
    %sign3A_50 = arith.cmpi slt, %jit3A_39, %sign3A_49 : i32
    %sign3A_51 = arith.extui %sign3A_50 : i1 to i32
    %sign3A_52 = arith.subi %sign3A_48, %sign3A_51 : i32
    %ne3A = arith.cmpi ne, %sign3A_45, %sign3A_52 : i32
    %rem3A = arith.remsi %sub3A_38, %jit3A_39 : i32
    %ne3A_53 = arith.constant 0 : i32
    %ne3A_54 = arith.cmpi ne, %rem3A, %ne3A_53 : i32
    %and3A = arith.andi %ne3A, %ne3A_54 : i1
    %sub3A_55 = arith.constant 1 : i32
    %sub3A_56 = arith.subi %div3A, %sub3A_55 : i32
    %select_n3A_57 = arith.select %and3A, %sub3A_56, %div3A : i32
    %while3A = arith.constant 0 : i32
    %while3A_58 = arith.constant 0 : i32
    %while3A_59 = arith.subi %select_n3A_57, %while3A_58 : i32
    %while3A_60 = arith.addi %while3A_58, %while3A_59 : i32
    %while3A_61 = arith.constant 1 : i32
    %while3A_62 = arith.divsi %while3A_59, %while3A_61 : i32
    %while3A_63 = arith.muli %while3A_62, %while3A_61 : i32
    %while3A_64 = arith.addi %while3A_58, %while3A_63 : i32
    %while3A_65 = arith.constant 1 : i32
    scf.for %while3A_81 = %while3A_58 to %while3A_64 step %while3A_65  : i32 {
      %mul3A_82 = arith.constant 2 : i32
      %mul3A_83 = arith.muli %mul3A_82, %while3A_81 : i32
      %mul3A_84 = arith.constant 128 : i32
      %mul3A_85 = arith.muli %mul3A_83, %mul3A_84 : i32
      %add3A_86 = arith.addi %mul3A_37, %mul3A_85 : i32
      %multiple_of3A_87 = tpu.assume_multiple %add3A_86, 8 : i32
      %mul3A_88 = arith.constant 2 : i32
      %mul3A_89 = arith.muli %mul3A_88, %while3A_81 : i32
      %add3A_90 = arith.constant 1 : i32
      %add3A_91 = arith.addi %mul3A_89, %add3A_90 : i32
      %mul3A_92 = arith.constant 128 : i32
      %mul3A_93 = arith.muli %add3A_91, %mul3A_92 : i32
      %add3A_94 = arith.addi %mul3A_37, %mul3A_93 : i32
      %multiple_of3A_95 = tpu.assume_multiple %add3A_94, 8 : i32
      "tpu.region"() ({
        %run_scoped3A = tpu.sem_alloc : memref<!tpu.dma_semaphore, #tpu.memory_space<semaphore_mem>>
        %dma_start3A_108 = tpu.memref_slice %arg2[%multiple_of3A_87] : memref<323584xi32, #tpu.memory_space<hbm>> -> memref<128xi32, #tpu.memory_space<hbm>>
        %dma_start3A_109 = tpu.memref_slice %arg2[%multiple_of3A_87] : memref<323584xi32, #tpu.memory_space<hbm>> -> memref<128xi32, #tpu.memory_space<hbm>>
        tpu.enqueue_dma source(%dma_start3A_109 : memref<128xi32, #tpu.memory_space<hbm>>) target(%arg8 : memref<128xi32, #tpu.memory_space<vmem>>) target_semaphore(%run_scoped3A : memref<!tpu.dma_semaphore, #tpu.memory_space<semaphore_mem>>)
        %dma_wait3A_110 = tpu.memref_slice %arg2[%multiple_of3A_87] : memref<323584xi32, #tpu.memory_space<hbm>> -> memref<128xi32, #tpu.memory_space<hbm>>
        %dma_wait3A_111 = tpu.memref_slice %arg2[%multiple_of3A_87] : memref<323584xi32, #tpu.memory_space<hbm>> -> memref<128xi32, #tpu.memory_space<hbm>>
        tpu.wait_dma2 semaphore(%run_scoped3A : memref<!tpu.dma_semaphore, #tpu.memory_space<semaphore_mem>>) src(%dma_wait3A_111 : memref<128xi32, #tpu.memory_space<hbm>>) dst(%arg8 : memref<128xi32, #tpu.memory_space<vmem>>)
        tpu.yield
      }) : () -> ()
      "tpu.region"() ({
        %run_scoped3A = tpu.sem_alloc : memref<!tpu.dma_semaphore, #tpu.memory_space<semaphore_mem>>
        %dma_start3A_108 = tpu.memref_slice %arg3[%multiple_of3A_87] : memref<323584xi32, #tpu.memory_space<hbm>> -> memref<128xi32, #tpu.memory_space<hbm>>
        %dma_start3A_109 = tpu.memref_slice %arg3[%multiple_of3A_87] : memref<323584xi32, #tpu.memory_space<hbm>> -> memref<128xi32, #tpu.memory_space<hbm>>
        tpu.enqueue_dma source(%dma_start3A_109 : memref<128xi32, #tpu.memory_space<hbm>>) target(%arg9 : memref<128xi32, #tpu.memory_space<vmem>>) target_semaphore(%run_scoped3A : memref<!tpu.dma_semaphore, #tpu.memory_space<semaphore_mem>>)
        %dma_wait3A_110 = tpu.memref_slice %arg3[%multiple_of3A_87] : memref<323584xi32, #tpu.memory_space<hbm>> -> memref<128xi32, #tpu.memory_space<hbm>>
        %dma_wait3A_111 = tpu.memref_slice %arg3[%multiple_of3A_87] : memref<323584xi32, #tpu.memory_space<hbm>> -> memref<128xi32, #tpu.memory_space<hbm>>
        tpu.wait_dma2 semaphore(%run_scoped3A : memref<!tpu.dma_semaphore, #tpu.memory_space<semaphore_mem>>) src(%dma_wait3A_111 : memref<128xi32, #tpu.memory_space<hbm>>) dst(%arg9 : memref<128xi32, #tpu.memory_space<vmem>>)
        tpu.yield
      }) : () -> ()
      %dma_start3A_96 = arith.constant 0 : i32
      %dma_start3A_97 = arith.constant 0 : i32
      %dma_start3A_98 = tpu.memref_slice %arg4[%dma_start3A_96, %dma_start3A_97] : memref<10000x128xf32, #tpu.memory_space<hbm>> -> memref<10000x128xf32, #tpu.memory_space<hbm>>
      tpu.enqueue_indirect_dma source(%dma_start3A_98 : memref<10000x128xf32, #tpu.memory_space<hbm>>) target(%arg6 : memref<128x128xf32, #tpu.memory_space<vmem>>) offsets(%arg8 : memref<128xi32, #tpu.memory_space<vmem>>) semaphore(%arg13 : memref<!tpu.dma_semaphore, #tpu.memory_space<semaphore_mem>>)
      "tpu.region"() ({
        %run_scoped3A = tpu.sem_alloc : memref<!tpu.dma_semaphore, #tpu.memory_space<semaphore_mem>>
        %dma_start3A_108 = tpu.memref_slice %arg2[%multiple_of3A_95] : memref<323584xi32, #tpu.memory_space<hbm>> -> memref<128xi32, #tpu.memory_space<hbm>>
        %dma_start3A_109 = tpu.memref_slice %arg2[%multiple_of3A_95] : memref<323584xi32, #tpu.memory_space<hbm>> -> memref<128xi32, #tpu.memory_space<hbm>>
        tpu.enqueue_dma source(%dma_start3A_109 : memref<128xi32, #tpu.memory_space<hbm>>) target(%arg10 : memref<128xi32, #tpu.memory_space<vmem>>) target_semaphore(%run_scoped3A : memref<!tpu.dma_semaphore, #tpu.memory_space<semaphore_mem>>)
        %dma_wait3A_110 = tpu.memref_slice %arg2[%multiple_of3A_95] : memref<323584xi32, #tpu.memory_space<hbm>> -> memref<128xi32, #tpu.memory_space<hbm>>
        %dma_wait3A_111 = tpu.memref_slice %arg2[%multiple_of3A_95] : memref<323584xi32, #tpu.memory_space<hbm>> -> memref<128xi32, #tpu.memory_space<hbm>>
        tpu.wait_dma2 semaphore(%run_scoped3A : memref<!tpu.dma_semaphore, #tpu.memory_space<semaphore_mem>>) src(%dma_wait3A_111 : memref<128xi32, #tpu.memory_space<hbm>>) dst(%arg10 : memref<128xi32, #tpu.memory_space<vmem>>)
        tpu.yield
      }) : () -> ()
      "tpu.region"() ({
        %run_scoped3A = tpu.sem_alloc : memref<!tpu.dma_semaphore, #tpu.memory_space<semaphore_mem>>
        %dma_start3A_108 = tpu.memref_slice %arg3[%multiple_of3A_95] : memref<323584xi32, #tpu.memory_space<hbm>> -> memref<128xi32, #tpu.memory_space<hbm>>
        %dma_start3A_109 = tpu.memref_slice %arg3[%multiple_of3A_95] : memref<323584xi32, #tpu.memory_space<hbm>> -> memref<128xi32, #tpu.memory_space<hbm>>
        tpu.enqueue_dma source(%dma_start3A_109 : memref<128xi32, #tpu.memory_space<hbm>>) target(%arg11 : memref<128xi32, #tpu.memory_space<vmem>>) target_semaphore(%run_scoped3A : memref<!tpu.dma_semaphore, #tpu.memory_space<semaphore_mem>>)
        %dma_wait3A_110 = tpu.memref_slice %arg3[%multiple_of3A_95] : memref<323584xi32, #tpu.memory_space<hbm>> -> memref<128xi32, #tpu.memory_space<hbm>>
        %dma_wait3A_111 = tpu.memref_slice %arg3[%multiple_of3A_95] : memref<323584xi32, #tpu.memory_space<hbm>> -> memref<128xi32, #tpu.memory_space<hbm>>
        tpu.wait_dma2 semaphore(%run_scoped3A : memref<!tpu.dma_semaphore, #tpu.memory_space<semaphore_mem>>) src(%dma_wait3A_111 : memref<128xi32, #tpu.memory_space<hbm>>) dst(%arg11 : memref<128xi32, #tpu.memory_space<vmem>>)
        tpu.yield
      }) : () -> ()
      %dma_start3A_99 = arith.constant 0 : i32
      %dma_start3A_100 = arith.constant 0 : i32
      %dma_start3A_101 = tpu.memref_slice %arg4[%dma_start3A_99, %dma_start3A_100] : memref<10000x128xf32, #tpu.memory_space<hbm>> -> memref<10000x128xf32, #tpu.memory_space<hbm>>
      tpu.enqueue_indirect_dma source(%dma_start3A_101 : memref<10000x128xf32, #tpu.memory_space<hbm>>) target(%arg7 : memref<128x128xf32, #tpu.memory_space<vmem>>) offsets(%arg10 : memref<128xi32, #tpu.memory_space<vmem>>) semaphore(%arg14 : memref<!tpu.dma_semaphore, #tpu.memory_space<semaphore_mem>>)
      %dma_wait3A_102 = arith.constant 0 : i32
      %dma_wait3A_103 = arith.constant 0 : i32
      %dma_wait3A_104 = tpu.memref_slice %arg4[%dma_wait3A_102, %dma_wait3A_103] : memref<10000x128xf32, #tpu.memory_space<hbm>> -> memref<10000x128xf32, #tpu.memory_space<hbm>>
      tpu.wait_indirect_dma semaphore(%arg13 : memref<!tpu.dma_semaphore, #tpu.memory_space<semaphore_mem>>) src(%dma_wait3A_104 : memref<10000x128xf32, #tpu.memory_space<hbm>>) dst(%arg6 : memref<128x128xf32, #tpu.memory_space<vmem>>)
      "tpu.region"() ({
        %run_scoped3A = tpu.sem_alloc : memref<!tpu.dma_semaphore, #tpu.memory_space<semaphore_mem>>
        %dma_start3A_108 = arith.constant 0 : i32
        %dma_start3A_109 = arith.constant 0 : i32
        %dma_start3A_110 = tpu.memref_slice %arg12[%dma_start3A_108, %dma_start3A_109] : memref<10240x128xf32, #tpu.memory_space<vmem_shared>> -> memref<10240x128xf32, #tpu.memory_space<vmem_shared>>
        tpu.enqueue_indirect_dma source(%arg6 : memref<128x128xf32, #tpu.memory_space<vmem>>) target(%dma_start3A_110 : memref<10240x128xf32, #tpu.memory_space<vmem_shared>>) offsets(%arg9 : memref<128xi32, #tpu.memory_space<vmem>>) semaphore(%run_scoped3A : memref<!tpu.dma_semaphore, #tpu.memory_space<semaphore_mem>>) {add = true}
        %dma_wait3A_111 = arith.constant 0 : i32
        %dma_wait3A_112 = arith.constant 0 : i32
        %dma_wait3A_113 = tpu.memref_slice %arg12[%dma_wait3A_111, %dma_wait3A_112] : memref<10240x128xf32, #tpu.memory_space<vmem_shared>> -> memref<10240x128xf32, #tpu.memory_space<vmem_shared>>
        tpu.wait_indirect_dma semaphore(%run_scoped3A : memref<!tpu.dma_semaphore, #tpu.memory_space<semaphore_mem>>) src(%arg6 : memref<128x128xf32, #tpu.memory_space<vmem>>) dst(%dma_wait3A_113 : memref<10240x128xf32, #tpu.memory_space<vmem_shared>>)
        tpu.yield
      }) : () -> ()
      %dma_wait3A_105 = arith.constant 0 : i32
      %dma_wait3A_106 = arith.constant 0 : i32
      %dma_wait3A_107 = tpu.memref_slice %arg4[%dma_wait3A_105, %dma_wait3A_106] : memref<10000x128xf32, #tpu.memory_space<hbm>> -> memref<10000x128xf32, #tpu.memory_space<hbm>>
      tpu.wait_indirect_dma semaphore(%arg14 : memref<!tpu.dma_semaphore, #tpu.memory_space<semaphore_mem>>) src(%dma_wait3A_107 : memref<10000x128xf32, #tpu.memory_space<hbm>>) dst(%arg7 : memref<128x128xf32, #tpu.memory_space<vmem>>)
      "tpu.region"() ({
        %run_scoped3A = tpu.sem_alloc : memref<!tpu.dma_semaphore, #tpu.memory_space<semaphore_mem>>
        %dma_start3A_108 = arith.constant 0 : i32
        %dma_start3A_109 = arith.constant 0 : i32
        %dma_start3A_110 = tpu.memref_slice %arg12[%dma_start3A_108, %dma_start3A_109] : memref<10240x128xf32, #tpu.memory_space<vmem_shared>> -> memref<10240x128xf32, #tpu.memory_space<vmem_shared>>
        tpu.enqueue_indirect_dma source(%arg7 : memref<128x128xf32, #tpu.memory_space<vmem>>) target(%dma_start3A_110 : memref<10240x128xf32, #tpu.memory_space<vmem_shared>>) offsets(%arg11 : memref<128xi32, #tpu.memory_space<vmem>>) semaphore(%run_scoped3A : memref<!tpu.dma_semaphore, #tpu.memory_space<semaphore_mem>>) {add = true}
        %dma_wait3A_111 = arith.constant 0 : i32
        %dma_wait3A_112 = arith.constant 0 : i32
        %dma_wait3A_113 = tpu.memref_slice %arg12[%dma_wait3A_111, %dma_wait3A_112] : memref<10240x128xf32, #tpu.memory_space<vmem_shared>> -> memref<10240x128xf32, #tpu.memory_space<vmem_shared>>
        tpu.wait_indirect_dma semaphore(%run_scoped3A : memref<!tpu.dma_semaphore, #tpu.memory_space<semaphore_mem>>) src(%arg7 : memref<128x128xf32, #tpu.memory_space<vmem>>) dst(%dma_wait3A_113 : memref<10240x128xf32, #tpu.memory_space<vmem_shared>>)
        tpu.yield
      }) : () -> ()
    }
    %while3A_66 = arith.constant 1 : i32
    scf.for %while3A_81 = %while3A_64 to %while3A_60 step %while3A_66  : i32 {
      %mul3A_82 = arith.constant 2 : i32
      %mul3A_83 = arith.muli %mul3A_82, %while3A_81 : i32
      %mul3A_84 = arith.constant 128 : i32
      %mul3A_85 = arith.muli %mul3A_83, %mul3A_84 : i32
      %add3A_86 = arith.addi %mul3A_37, %mul3A_85 : i32
      %multiple_of3A_87 = tpu.assume_multiple %add3A_86, 8 : i32
      %mul3A_88 = arith.constant 2 : i32
      %mul3A_89 = arith.muli %mul3A_88, %while3A_81 : i32
      %add3A_90 = arith.constant 1 : i32
      %add3A_91 = arith.addi %mul3A_89, %add3A_90 : i32
      %mul3A_92 = arith.constant 128 : i32
      %mul3A_93 = arith.muli %add3A_91, %mul3A_92 : i32
      %add3A_94 = arith.addi %mul3A_37, %mul3A_93 : i32
      %multiple_of3A_95 = tpu.assume_multiple %add3A_94, 8 : i32
      "tpu.region"() ({
        %run_scoped3A = tpu.sem_alloc : memref<!tpu.dma_semaphore, #tpu.memory_space<semaphore_mem>>
        %dma_start3A_108 = tpu.memref_slice %arg2[%multiple_of3A_87] : memref<323584xi32, #tpu.memory_space<hbm>> -> memref<128xi32, #tpu.memory_space<hbm>>
        %dma_start3A_109 = tpu.memref_slice %arg2[%multiple_of3A_87] : memref<323584xi32, #tpu.memory_space<hbm>> -> memref<128xi32, #tpu.memory_space<hbm>>
        tpu.enqueue_dma source(%dma_start3A_109 : memref<128xi32, #tpu.memory_space<hbm>>) target(%arg8 : memref<128xi32, #tpu.memory_space<vmem>>) target_semaphore(%run_scoped3A : memref<!tpu.dma_semaphore, #tpu.memory_space<semaphore_mem>>)
        %dma_wait3A_110 = tpu.memref_slice %arg2[%multiple_of3A_87] : memref<323584xi32, #tpu.memory_space<hbm>> -> memref<128xi32, #tpu.memory_space<hbm>>
        %dma_wait3A_111 = tpu.memref_slice %arg2[%multiple_of3A_87] : memref<323584xi32, #tpu.memory_space<hbm>> -> memref<128xi32, #tpu.memory_space<hbm>>
        tpu.wait_dma2 semaphore(%run_scoped3A : memref<!tpu.dma_semaphore, #tpu.memory_space<semaphore_mem>>) src(%dma_wait3A_111 : memref<128xi32, #tpu.memory_space<hbm>>) dst(%arg8 : memref<128xi32, #tpu.memory_space<vmem>>)
        tpu.yield
      }) : () -> ()
      "tpu.region"() ({
        %run_scoped3A = tpu.sem_alloc : memref<!tpu.dma_semaphore, #tpu.memory_space<semaphore_mem>>
        %dma_start3A_108 = tpu.memref_slice %arg3[%multiple_of3A_87] : memref<323584xi32, #tpu.memory_space<hbm>> -> memref<128xi32, #tpu.memory_space<hbm>>
        %dma_start3A_109 = tpu.memref_slice %arg3[%multiple_of3A_87] : memref<323584xi32, #tpu.memory_space<hbm>> -> memref<128xi32, #tpu.memory_space<hbm>>
        tpu.enqueue_dma source(%dma_start3A_109 : memref<128xi32, #tpu.memory_space<hbm>>) target(%arg9 : memref<128xi32, #tpu.memory_space<vmem>>) target_semaphore(%run_scoped3A : memref<!tpu.dma_semaphore, #tpu.memory_space<semaphore_mem>>)
        %dma_wait3A_110 = tpu.memref_slice %arg3[%multiple_of3A_87] : memref<323584xi32, #tpu.memory_space<hbm>> -> memref<128xi32, #tpu.memory_space<hbm>>
        %dma_wait3A_111 = tpu.memref_slice %arg3[%multiple_of3A_87] : memref<323584xi32, #tpu.memory_space<hbm>> -> memref<128xi32, #tpu.memory_space<hbm>>
        tpu.wait_dma2 semaphore(%run_scoped3A : memref<!tpu.dma_semaphore, #tpu.memory_space<semaphore_mem>>) src(%dma_wait3A_111 : memref<128xi32, #tpu.memory_space<hbm>>) dst(%arg9 : memref<128xi32, #tpu.memory_space<vmem>>)
        tpu.yield
      }) : () -> ()
      %dma_start3A_96 = arith.constant 0 : i32
      %dma_start3A_97 = arith.constant 0 : i32
      %dma_start3A_98 = tpu.memref_slice %arg4[%dma_start3A_96, %dma_start3A_97] : memref<10000x128xf32, #tpu.memory_space<hbm>> -> memref<10000x128xf32, #tpu.memory_space<hbm>>
      tpu.enqueue_indirect_dma source(%dma_start3A_98 : memref<10000x128xf32, #tpu.memory_space<hbm>>) target(%arg6 : memref<128x128xf32, #tpu.memory_space<vmem>>) offsets(%arg8 : memref<128xi32, #tpu.memory_space<vmem>>) semaphore(%arg13 : memref<!tpu.dma_semaphore, #tpu.memory_space<semaphore_mem>>)
      "tpu.region"() ({
        %run_scoped3A = tpu.sem_alloc : memref<!tpu.dma_semaphore, #tpu.memory_space<semaphore_mem>>
        %dma_start3A_108 = tpu.memref_slice %arg2[%multiple_of3A_95] : memref<323584xi32, #tpu.memory_space<hbm>> -> memref<128xi32, #tpu.memory_space<hbm>>
        %dma_start3A_109 = tpu.memref_slice %arg2[%multiple_of3A_95] : memref<323584xi32, #tpu.memory_space<hbm>> -> memref<128xi32, #tpu.memory_space<hbm>>
        tpu.enqueue_dma source(%dma_start3A_109 : memref<128xi32, #tpu.memory_space<hbm>>) target(%arg10 : memref<128xi32, #tpu.memory_space<vmem>>) target_semaphore(%run_scoped3A : memref<!tpu.dma_semaphore, #tpu.memory_space<semaphore_mem>>)
        %dma_wait3A_110 = tpu.memref_slice %arg2[%multiple_of3A_95] : memref<323584xi32, #tpu.memory_space<hbm>> -> memref<128xi32, #tpu.memory_space<hbm>>
        %dma_wait3A_111 = tpu.memref_slice %arg2[%multiple_of3A_95] : memref<323584xi32, #tpu.memory_space<hbm>> -> memref<128xi32, #tpu.memory_space<hbm>>
        tpu.wait_dma2 semaphore(%run_scoped3A : memref<!tpu.dma_semaphore, #tpu.memory_space<semaphore_mem>>) src(%dma_wait3A_111 : memref<128xi32, #tpu.memory_space<hbm>>) dst(%arg10 : memref<128xi32, #tpu.memory_space<vmem>>)
        tpu.yield
      }) : () -> ()
      "tpu.region"() ({
        %run_scoped3A = tpu.sem_alloc : memref<!tpu.dma_semaphore, #tpu.memory_space<semaphore_mem>>
        %dma_start3A_108 = tpu.memref_slice %arg3[%multiple_of3A_95] : memref<323584xi32, #tpu.memory_space<hbm>> -> memref<128xi32, #tpu.memory_space<hbm>>
        %dma_start3A_109 = tpu.memref_slice %arg3[%multiple_of3A_95] : memref<323584xi32, #tpu.memory_space<hbm>> -> memref<128xi32, #tpu.memory_space<hbm>>
        tpu.enqueue_dma source(%dma_start3A_109 : memref<128xi32, #tpu.memory_space<hbm>>) target(%arg11 : memref<128xi32, #tpu.memory_space<vmem>>) target_semaphore(%run_scoped3A : memref<!tpu.dma_semaphore, #tpu.memory_space<semaphore_mem>>)
        %dma_wait3A_110 = tpu.memref_slice %arg3[%multiple_of3A_95] : memref<323584xi32, #tpu.memory_space<hbm>> -> memref<128xi32, #tpu.memory_space<hbm>>
        %dma_wait3A_111 = tpu.memref_slice %arg3[%multiple_of3A_95] : memref<323584xi32, #tpu.memory_space<hbm>> -> memref<128xi32, #tpu.memory_space<hbm>>
        tpu.wait_dma2 semaphore(%run_scoped3A : memref<!tpu.dma_semaphore, #tpu.memory_space<semaphore_mem>>) src(%dma_wait3A_111 : memref<128xi32, #tpu.memory_space<hbm>>) dst(%arg11 : memref<128xi32, #tpu.memory_space<vmem>>)
        tpu.yield
      }) : () -> ()
      %dma_start3A_99 = arith.constant 0 : i32
      %dma_start3A_100 = arith.constant 0 : i32
      %dma_start3A_101 = tpu.memref_slice %arg4[%dma_start3A_99, %dma_start3A_100] : memref<10000x128xf32, #tpu.memory_space<hbm>> -> memref<10000x128xf32, #tpu.memory_space<hbm>>
      tpu.enqueue_indirect_dma source(%dma_start3A_101 : memref<10000x128xf32, #tpu.memory_space<hbm>>) target(%arg7 : memref<128x128xf32, #tpu.memory_space<vmem>>) offsets(%arg10 : memref<128xi32, #tpu.memory_space<vmem>>) semaphore(%arg14 : memref<!tpu.dma_semaphore, #tpu.memory_space<semaphore_mem>>)
      %dma_wait3A_102 = arith.constant 0 : i32
      %dma_wait3A_103 = arith.constant 0 : i32
      %dma_wait3A_104 = tpu.memref_slice %arg4[%dma_wait3A_102, %dma_wait3A_103] : memref<10000x128xf32, #tpu.memory_space<hbm>> -> memref<10000x128xf32, #tpu.memory_space<hbm>>
      tpu.wait_indirect_dma semaphore(%arg13 : memref<!tpu.dma_semaphore, #tpu.memory_space<semaphore_mem>>) src(%dma_wait3A_104 : memref<10000x128xf32, #tpu.memory_space<hbm>>) dst(%arg6 : memref<128x128xf32, #tpu.memory_space<vmem>>)
      "tpu.region"() ({
        %run_scoped3A = tpu.sem_alloc : memref<!tpu.dma_semaphore, #tpu.memory_space<semaphore_mem>>
        %dma_start3A_108 = arith.constant 0 : i32
        %dma_start3A_109 = arith.constant 0 : i32
        %dma_start3A_110 = tpu.memref_slice %arg12[%dma_start3A_108, %dma_start3A_109] : memref<10240x128xf32, #tpu.memory_space<vmem_shared>> -> memref<10240x128xf32, #tpu.memory_space<vmem_shared>>
        tpu.enqueue_indirect_dma source(%arg6 : memref<128x128xf32, #tpu.memory_space<vmem>>) target(%dma_start3A_110 : memref<10240x128xf32, #tpu.memory_space<vmem_shared>>) offsets(%arg9 : memref<128xi32, #tpu.memory_space<vmem>>) semaphore(%run_scoped3A : memref<!tpu.dma_semaphore, #tpu.memory_space<semaphore_mem>>) {add = true}
        %dma_wait3A_111 = arith.constant 0 : i32
        %dma_wait3A_112 = arith.constant 0 : i32
        %dma_wait3A_113 = tpu.memref_slice %arg12[%dma_wait3A_111, %dma_wait3A_112] : memref<10240x128xf32, #tpu.memory_space<vmem_shared>> -> memref<10240x128xf32, #tpu.memory_space<vmem_shared>>
        tpu.wait_indirect_dma semaphore(%run_scoped3A : memref<!tpu.dma_semaphore, #tpu.memory_space<semaphore_mem>>) src(%arg6 : memref<128x128xf32, #tpu.memory_space<vmem>>) dst(%dma_wait3A_113 : memref<10240x128xf32, #tpu.memory_space<vmem_shared>>)
        tpu.yield
      }) : () -> ()
      %dma_wait3A_105 = arith.constant 0 : i32
      %dma_wait3A_106 = arith.constant 0 : i32
      %dma_wait3A_107 = tpu.memref_slice %arg4[%dma_wait3A_105, %dma_wait3A_106] : memref<10000x128xf32, #tpu.memory_space<hbm>> -> memref<10000x128xf32, #tpu.memory_space<hbm>>
      tpu.wait_indirect_dma semaphore(%arg14 : memref<!tpu.dma_semaphore, #tpu.memory_space<semaphore_mem>>) src(%dma_wait3A_107 : memref<10000x128xf32, #tpu.memory_space<hbm>>) dst(%arg7 : memref<128x128xf32, #tpu.memory_space<vmem>>)
      "tpu.region"() ({
        %run_scoped3A = tpu.sem_alloc : memref<!tpu.dma_semaphore, #tpu.memory_space<semaphore_mem>>
        %dma_start3A_108 = arith.constant 0 : i32
        %dma_start3A_109 = arith.constant 0 : i32
        %dma_start3A_110 = tpu.memref_slice %arg12[%dma_start3A_108, %dma_start3A_109] : memref<10240x128xf32, #tpu.memory_space<vmem_shared>> -> memref<10240x128xf32, #tpu.memory_space<vmem_shared>>
        tpu.enqueue_indirect_dma source(%arg7 : memref<128x128xf32, #tpu.memory_space<vmem>>) target(%dma_start3A_110 : memref<10240x128xf32, #tpu.memory_space<vmem_shared>>) offsets(%arg11 : memref<128xi32, #tpu.memory_space<vmem>>) semaphore(%run_scoped3A : memref<!tpu.dma_semaphore, #tpu.memory_space<semaphore_mem>>) {add = true}
        %dma_wait3A_111 = arith.constant 0 : i32
        %dma_wait3A_112 = arith.constant 0 : i32
        %dma_wait3A_113 = tpu.memref_slice %arg12[%dma_wait3A_111, %dma_wait3A_112] : memref<10240x128xf32, #tpu.memory_space<vmem_shared>> -> memref<10240x128xf32, #tpu.memory_space<vmem_shared>>
        tpu.wait_indirect_dma semaphore(%run_scoped3A : memref<!tpu.dma_semaphore, #tpu.memory_space<semaphore_mem>>) src(%arg7 : memref<128x128xf32, #tpu.memory_space<vmem>>) dst(%dma_wait3A_113 : memref<10240x128xf32, #tpu.memory_space<vmem_shared>>)
        tpu.yield
      }) : () -> ()
    }
    %sub3A_67 = arith.constant 1 : i32
    %sub3A_68 = arith.subi %select_n3A, %sub3A_67 : i32
    %mul3A_69 = arith.constant 128 : i32
    %mul3A_70 = arith.muli %sub3A_68, %mul3A_69 : i32
    %add3A_71 = arith.addi %mul3A_37, %mul3A_70 : i32
    %multiple_of3A = tpu.assume_multiple %add3A_71, 8 : i32
    "tpu.region"() ({
      %run_scoped3A = tpu.sem_alloc : memref<!tpu.dma_semaphore, #tpu.memory_space<semaphore_mem>>
      %dma_start3A_81 = tpu.memref_slice %arg2[%multiple_of3A] : memref<323584xi32, #tpu.memory_space<hbm>> -> memref<128xi32, #tpu.memory_space<hbm>>
      %dma_start3A_82 = tpu.memref_slice %arg2[%multiple_of3A] : memref<323584xi32, #tpu.memory_space<hbm>> -> memref<128xi32, #tpu.memory_space<hbm>>
      tpu.enqueue_dma source(%dma_start3A_82 : memref<128xi32, #tpu.memory_space<hbm>>) target(%arg8 : memref<128xi32, #tpu.memory_space<vmem>>) target_semaphore(%run_scoped3A : memref<!tpu.dma_semaphore, #tpu.memory_space<semaphore_mem>>)
      %dma_wait3A_83 = tpu.memref_slice %arg2[%multiple_of3A] : memref<323584xi32, #tpu.memory_space<hbm>> -> memref<128xi32, #tpu.memory_space<hbm>>
      %dma_wait3A_84 = tpu.memref_slice %arg2[%multiple_of3A] : memref<323584xi32, #tpu.memory_space<hbm>> -> memref<128xi32, #tpu.memory_space<hbm>>
      tpu.wait_dma2 semaphore(%run_scoped3A : memref<!tpu.dma_semaphore, #tpu.memory_space<semaphore_mem>>) src(%dma_wait3A_84 : memref<128xi32, #tpu.memory_space<hbm>>) dst(%arg8 : memref<128xi32, #tpu.memory_space<vmem>>)
      tpu.yield
    }) : () -> ()
    "tpu.region"() ({
      %run_scoped3A = tpu.sem_alloc : memref<!tpu.dma_semaphore, #tpu.memory_space<semaphore_mem>>
      %dma_start3A_81 = tpu.memref_slice %arg3[%multiple_of3A] : memref<323584xi32, #tpu.memory_space<hbm>> -> memref<128xi32, #tpu.memory_space<hbm>>
      %dma_start3A_82 = tpu.memref_slice %arg3[%multiple_of3A] : memref<323584xi32, #tpu.memory_space<hbm>> -> memref<128xi32, #tpu.memory_space<hbm>>
      tpu.enqueue_dma source(%dma_start3A_82 : memref<128xi32, #tpu.memory_space<hbm>>) target(%arg9 : memref<128xi32, #tpu.memory_space<vmem>>) target_semaphore(%run_scoped3A : memref<!tpu.dma_semaphore, #tpu.memory_space<semaphore_mem>>)
      %dma_wait3A_83 = tpu.memref_slice %arg3[%multiple_of3A] : memref<323584xi32, #tpu.memory_space<hbm>> -> memref<128xi32, #tpu.memory_space<hbm>>
      %dma_wait3A_84 = tpu.memref_slice %arg3[%multiple_of3A] : memref<323584xi32, #tpu.memory_space<hbm>> -> memref<128xi32, #tpu.memory_space<hbm>>
      tpu.wait_dma2 semaphore(%run_scoped3A : memref<!tpu.dma_semaphore, #tpu.memory_space<semaphore_mem>>) src(%dma_wait3A_84 : memref<128xi32, #tpu.memory_space<hbm>>) dst(%arg9 : memref<128xi32, #tpu.memory_space<vmem>>)
      tpu.yield
    }) : () -> ()
    %dma_start3A = arith.constant 0 : i32
    %dma_start3A_72 = arith.constant 0 : i32
    %dma_start3A_73 = tpu.memref_slice %arg4[%dma_start3A, %dma_start3A_72] : memref<10000x128xf32, #tpu.memory_space<hbm>> -> memref<10000x128xf32, #tpu.memory_space<hbm>>
    tpu.enqueue_indirect_dma source(%dma_start3A_73 : memref<10000x128xf32, #tpu.memory_space<hbm>>) target(%arg6 : memref<128x128xf32, #tpu.memory_space<vmem>>) offsets(%arg8 : memref<128xi32, #tpu.memory_space<vmem>>) semaphore(%arg13 : memref<!tpu.dma_semaphore, #tpu.memory_space<semaphore_mem>>)
    %dma_wait3A = arith.constant 0 : i32
    %dma_wait3A_74 = arith.constant 0 : i32
    %dma_wait3A_75 = tpu.memref_slice %arg4[%dma_wait3A, %dma_wait3A_74] : memref<10000x128xf32, #tpu.memory_space<hbm>> -> memref<10000x128xf32, #tpu.memory_space<hbm>>
    tpu.wait_indirect_dma semaphore(%arg13 : memref<!tpu.dma_semaphore, #tpu.memory_space<semaphore_mem>>) src(%dma_wait3A_75 : memref<10000x128xf32, #tpu.memory_space<hbm>>) dst(%arg6 : memref<128x128xf32, #tpu.memory_space<vmem>>)
    "tpu.region"() ({
      %run_scoped3A = tpu.sem_alloc : memref<!tpu.dma_semaphore, #tpu.memory_space<semaphore_mem>>
      %dma_start3A_81 = arith.constant 0 : i32
      %dma_start3A_82 = arith.constant 0 : i32
      %dma_start3A_83 = tpu.memref_slice %arg12[%dma_start3A_81, %dma_start3A_82] : memref<10240x128xf32, #tpu.memory_space<vmem_shared>> -> memref<10240x128xf32, #tpu.memory_space<vmem_shared>>
      tpu.enqueue_indirect_dma source(%arg6 : memref<128x128xf32, #tpu.memory_space<vmem>>) target(%dma_start3A_83 : memref<10240x128xf32, #tpu.memory_space<vmem_shared>>) offsets(%arg9 : memref<128xi32, #tpu.memory_space<vmem>>) semaphore(%run_scoped3A : memref<!tpu.dma_semaphore, #tpu.memory_space<semaphore_mem>>) {add = true}
      %dma_wait3A_84 = arith.constant 0 : i32
      %dma_wait3A_85 = arith.constant 0 : i32
      %dma_wait3A_86 = tpu.memref_slice %arg12[%dma_wait3A_84, %dma_wait3A_85] : memref<10240x128xf32, #tpu.memory_space<vmem_shared>> -> memref<10240x128xf32, #tpu.memory_space<vmem_shared>>
      tpu.wait_indirect_dma semaphore(%run_scoped3A : memref<!tpu.dma_semaphore, #tpu.memory_space<semaphore_mem>>) src(%arg6 : memref<128x128xf32, #tpu.memory_space<vmem>>) dst(%dma_wait3A_86 : memref<10240x128xf32, #tpu.memory_space<vmem_shared>>)
      tpu.yield
    }) : () -> ()
    %barrier3A_76 = arith.constant 0 : index
    tpu.barrier barrier_id(%barrier3A_76)
    %mul3A_77 = arith.constant 640 : i32
    %mul3A_78 = arith.muli %arg1, %mul3A_77 : i32
    %mul3A_79 = arith.constant 640 : i32
    %mul3A_80 = arith.muli %arg1, %mul3A_79 : i32
    "tpu.region"() ({
      %run_scoped3A = tpu.sem_alloc : memref<!tpu.dma_semaphore, #tpu.memory_space<semaphore_mem>>
      %dma_start3A_81 = arith.constant 0 : i32
      %dma_start3A_82 = tpu.memref_slice %arg5[%arg0, %mul3A_80, %dma_start3A_81] : memref<2x10240x128xf32, #tpu.memory_space<hbm>> -> memref<1x640x128xf32, #tpu.memory_space<hbm>>
      %dma_start3A_83 = tpu.memref_squeeze %dma_start3A_82 : memref<1x640x128xf32, #tpu.memory_space<hbm>> -> memref<640x128xf32, #tpu.memory_space<hbm>>
      %dma_start3A_84 = arith.constant 0 : i32
      %dma_start3A_85 = tpu.memref_slice %arg12[%mul3A_78, %dma_start3A_84] : memref<10240x128xf32, #tpu.memory_space<vmem_shared>> -> memref<640x128xf32, #tpu.memory_space<vmem_shared>>
      tpu.enqueue_dma source(%dma_start3A_85 : memref<640x128xf32, #tpu.memory_space<vmem_shared>>) target(%dma_start3A_83 : memref<640x128xf32, #tpu.memory_space<hbm>>) target_semaphore(%run_scoped3A : memref<!tpu.dma_semaphore, #tpu.memory_space<semaphore_mem>>)
      %dma_wait3A_86 = arith.constant 0 : i32
      %dma_wait3A_87 = tpu.memref_slice %arg5[%arg0, %mul3A_80, %dma_wait3A_86] : memref<2x10240x128xf32, #tpu.memory_space<hbm>> -> memref<1x640x128xf32, #tpu.memory_space<hbm>>
      %dma_wait3A_88 = tpu.memref_squeeze %dma_wait3A_87 : memref<1x640x128xf32, #tpu.memory_space<hbm>> -> memref<640x128xf32, #tpu.memory_space<hbm>>
      %dma_wait3A_89 = arith.constant 0 : i32
      %dma_wait3A_90 = tpu.memref_slice %arg12[%mul3A_78, %dma_wait3A_89] : memref<10240x128xf32, #tpu.memory_space<vmem_shared>> -> memref<640x128xf32, #tpu.memory_space<vmem_shared>>
      tpu.wait_dma2 semaphore(%run_scoped3A : memref<!tpu.dma_semaphore, #tpu.memory_space<semaphore_mem>>) src(%dma_wait3A_90 : memref<640x128xf32, #tpu.memory_space<vmem_shared>>) dst(%dma_wait3A_88 : memref<640x128xf32, #tpu.memory_space<hbm>>)
      tpu.yield
    }) : () -> ()
    return
  }
}

module attributes {stable_mosaic.version = 14 : i64} {
  func.func @_h_body(%arg0: i32, %arg1: memref<2000x128xf32, #tpu.memory_space<vmem>>, %arg2: memref<1x2000x1xf32, #tpu.memory_space<vmem>>, %arg3: memref<1x2000x1xf32, #tpu.memory_space<vmem>>, %arg4: memref<2000x128xf32, #tpu.memory_space<vmem>>) attributes {dimension_semantics = [#tpu.dimension_semantics<arbitrary>], iteration_bounds = array<i64: 5>, scalar_prefetch = 0 : i64, scratch_operands = 0 : i64, tpu.core_type = #tpu.core_type<tc>, window_params = [{transform_indices = @transform_0, window_bounds = array<i64: 2000, 128>}, {transform_indices = @transform_1, window_bounds = array<i64: 1, 2000, 1>}, {transform_indices = @transform_2, window_bounds = array<i64: 1, 2000, 1>}, {transform_indices = @transform_3, window_bounds = array<i64: 2000, 128>}]} {
    %get3A = arith.constant 0 : index
    %get3A_0 = arith.constant 0 : index
    %get3A_1 = arith.constant 0 : index
    %get3A_2 = vector.load %arg2[%get3A, %get3A_0, %get3A_1] : memref<1x2000x1xf32, #tpu.memory_space<vmem>>, vector<1x2000x1xf32>
    %get3A_3 = vector.shape_cast %get3A_2 : vector<1x2000x1xf32> to vector<2000x1xf32>
    %get3A_4 = arith.constant 0 : index
    %get3A_5 = arith.constant 0 : index
    %get3A_6 = arith.constant 0 : index
    %get3A_7 = vector.load %arg3[%get3A_4, %get3A_5, %get3A_6] : memref<1x2000x1xf32, #tpu.memory_space<vmem>>, vector<1x2000x1xf32>
    %get3A_8 = vector.shape_cast %get3A_7 : vector<1x2000x1xf32> to vector<2000x1xf32>
    %add3A = arith.addf %get3A_3, %get3A_8 : vector<2000x1xf32>
    %max3A = arith.constant 1.000000e+00 : f32
    %max3A_9 = vector.broadcast %max3A : f32 to vector<2000x1xf32>
    %max3A_10 = arith.maximumf %add3A, %max3A_9 : vector<2000x1xf32>
    %rsqrt3A = math.rsqrt %max3A_10 : vector<2000x1xf32>
    %get3A_11 = arith.constant 0 : index
    %get3A_12 = arith.constant 0 : index
    %get3A_13 = vector.load %arg1[%get3A_11, %get3A_12] : memref<2000x128xf32, #tpu.memory_space<vmem>>, vector<2000x128xf32>
    %mul3A = vector.broadcast %rsqrt3A : vector<2000x1xf32> to vector<2000x128xf32>
    %mul3A_14 = arith.mulf %get3A_13, %mul3A : vector<2000x128xf32>
    %swap3A = arith.constant 0 : index
    %swap3A_15 = arith.constant 0 : index
    %swap3A_16 = vector.load %arg4[%swap3A, %swap3A_15] : memref<2000x128xf32, #tpu.memory_space<vmem>>, vector<2000x128xf32>
    tpu.vector_store %arg4[%swap3A, %swap3A_15], %mul3A_14 {strides = array<i32>} : memref<2000x128xf32, #tpu.memory_space<vmem>>, vector<2000x128xf32>,
    return
  }
  func.func @transform_0(%arg0: i32) -> (i32, i32) {
    %c0_i32 = arith.constant 0 : i32
    %c0_i32_0 = arith.constant 0 : i32
    return %arg0, %c0_i32 : i32, i32
  }
  func.func @transform_1(%arg0: i32) -> (i32, i32, i32) {
    %c0_i32 = arith.constant 0 : i32
    %c0_i32_0 = arith.constant 0 : i32
    %c0_i32_1 = arith.constant 0 : i32
    return %c0_i32, %arg0, %c0_i32_0 : i32, i32, i32
  }
  func.func @transform_2(%arg0: i32) -> (i32, i32, i32) {
    %c1_i32 = arith.constant 1 : i32
    %c0_i32 = arith.constant 0 : i32
    %c0_i32_0 = arith.constant 0 : i32
    return %c1_i32, %arg0, %c0_i32 : i32, i32, i32
  }
  func.func @transform_3(%arg0: i32) -> (i32, i32) {
    %c0_i32 = arith.constant 0 : i32
    %c0_i32_0 = arith.constant 0 : i32
    return %arg0, %c0_i32 : i32, i32
  }
}

module attributes {stable_mosaic.version = 14 : i64} {
  func.func @_out_body(%arg0: i32, %arg1: memref<1x2000x128xf32, #tpu.memory_space<vmem>>, %arg2: memref<1x2000x128xf32, #tpu.memory_space<vmem>>, %arg3: memref<2000x128xf32, #tpu.memory_space<vmem>>, %arg4: memref<1x2000x1xf32, #tpu.memory_space<vmem>>, %arg5: memref<1x2000x1xf32, #tpu.memory_space<vmem>>, %arg6: memref<2000x1xf32, #tpu.memory_space<vmem>>, %arg7: memref<128x128xf32, #tpu.memory_space<vmem>>, %arg8: memref<1x128xf32, #tpu.memory_space<vmem>>, %arg9: memref<2000x128xf32, #tpu.memory_space<vmem>>) attributes {dimension_semantics = [#tpu.dimension_semantics<arbitrary>], iteration_bounds = array<i64: 5>, scalar_prefetch = 0 : i64, scratch_operands = 0 : i64, tpu.core_type = #tpu.core_type<tc>, window_params = [{transform_indices = @transform_0, window_bounds = array<i64: 1, 2000, 128>}, {transform_indices = @transform_1, window_bounds = array<i64: 1, 2000, 128>}, {transform_indices = @transform_2, window_bounds = array<i64: 2000, 128>}, {transform_indices = @transform_3, window_bounds = array<i64: 1, 2000, 1>}, {transform_indices = @transform_4, window_bounds = array<i64: 1, 2000, 1>}, {transform_indices = @transform_5, window_bounds = array<i64: 2000, 1>}, {pipeline_mode = #tpu.pipeline_mode<synchronous>, transform_indices = @transform_6, window_bounds = array<i64: 128, 128>}, {pipeline_mode = #tpu.pipeline_mode<synchronous>, transform_indices = @transform_7, window_bounds = array<i64: 1, 128>}, {transform_indices = @transform_8, window_bounds = array<i64: 2000, 128>}]} {
    %get3A = arith.constant 0 : index
    %get3A_0 = arith.constant 0 : index
    %get3A_1 = arith.constant 0 : index
    %get3A_2 = vector.load %arg1[%get3A, %get3A_0, %get3A_1] : memref<1x2000x128xf32, #tpu.memory_space<vmem>>, vector<1x2000x128xf32>
    %get3A_3 = vector.shape_cast %get3A_2 : vector<1x2000x128xf32> to vector<2000x128xf32>
    %get3A_4 = arith.constant 0 : index
    %get3A_5 = arith.constant 0 : index
    %get3A_6 = arith.constant 0 : index
    %get3A_7 = vector.load %arg2[%get3A_4, %get3A_5, %get3A_6] : memref<1x2000x128xf32, #tpu.memory_space<vmem>>, vector<1x2000x128xf32>
    %get3A_8 = vector.shape_cast %get3A_7 : vector<1x2000x128xf32> to vector<2000x128xf32>
    %add3A = arith.addf %get3A_3, %get3A_8 : vector<2000x128xf32>
    %get3A_9 = arith.constant 0 : index
    %get3A_10 = arith.constant 0 : index
    %get3A_11 = arith.constant 0 : index
    %get3A_12 = vector.load %arg4[%get3A_9, %get3A_10, %get3A_11] : memref<1x2000x1xf32, #tpu.memory_space<vmem>>, vector<1x2000x1xf32>
    %get3A_13 = vector.shape_cast %get3A_12 : vector<1x2000x1xf32> to vector<2000x1xf32>
    %get3A_14 = arith.constant 0 : index
    %get3A_15 = arith.constant 0 : index
    %get3A_16 = arith.constant 0 : index
    %get3A_17 = vector.load %arg5[%get3A_14, %get3A_15, %get3A_16] : memref<1x2000x1xf32, #tpu.memory_space<vmem>>, vector<1x2000x1xf32>
    %get3A_18 = vector.shape_cast %get3A_17 : vector<1x2000x1xf32> to vector<2000x1xf32>
    %add3A_19 = arith.addf %get3A_13, %get3A_18 : vector<2000x1xf32>
    %max3A = arith.constant 1.000000e+00 : f32
    %max3A_20 = vector.broadcast %max3A : f32 to vector<2000x1xf32>
    %max3A_21 = arith.maximumf %add3A_19, %max3A_20 : vector<2000x1xf32>
    %rsqrt3A = math.rsqrt %max3A_21 : vector<2000x1xf32>
    %get3A_22 = arith.constant 0 : index
    %get3A_23 = arith.constant 0 : index
    %get3A_24 = vector.load %arg6[%get3A_22, %get3A_23] : memref<2000x1xf32, #tpu.memory_space<vmem>>, vector<2000x1xf32>
    %sub3A = arith.constant 1.000000e+00 : f32
    %sub3A_25 = vector.broadcast %sub3A : f32 to vector<2000x1xf32>
    %sub3A_26 = arith.subf %sub3A_25, %get3A_24 : vector<2000x1xf32>
    %mul3A = vector.broadcast %sub3A_26 : vector<2000x1xf32> to vector<2000x128xf32>
    %mul3A_27 = arith.mulf %mul3A, %add3A : vector<2000x128xf32>
    %get3A_28 = arith.constant 0 : index
    %get3A_29 = arith.constant 0 : index
    %get3A_30 = vector.load %arg3[%get3A_28, %get3A_29] : memref<2000x128xf32, #tpu.memory_space<vmem>>, vector<2000x128xf32>
    %mul3A_31 = vector.broadcast %get3A_24 : vector<2000x1xf32> to vector<2000x128xf32>
    %mul3A_32 = arith.mulf %mul3A_31, %get3A_30 : vector<2000x128xf32>
    %add3A_33 = arith.addf %mul3A_27, %mul3A_32 : vector<2000x128xf32>
    %get3A_34 = arith.constant 0 : index
    %get3A_35 = arith.constant 0 : index
    %get3A_36 = vector.load %arg7[%get3A_34, %get3A_35] : memref<128x128xf32, #tpu.memory_space<vmem>>, vector<128x128xf32>
    %dot_general3A = arith.constant dense<0.000000e+00> : vector<2000x128xf32>
    %dot_general3A_37 = tpu.matmul %add3A_33, %get3A_36, %dot_general3A {dimension_numbers = #tpu.dot_dimension_numbers<[1], [0], [0], [1], [0, 0, 1, 1], [], []>, transpose_lhs_hint = false} : vector<2000x128xf32>, vector<128x128xf32>, vector<2000x128xf32> -> vector<2000x128xf32>
    %mul3A_38 = vector.broadcast %rsqrt3A : vector<2000x1xf32> to vector<2000x128xf32>
    %mul3A_39 = arith.mulf %dot_general3A_37, %mul3A_38 : vector<2000x128xf32>
    %get3A_40 = arith.constant 0 : index
    %get3A_41 = arith.constant 0 : index
    %get3A_42 = vector.load %arg8[%get3A_40, %get3A_41] : memref<1x128xf32, #tpu.memory_space<vmem>>, vector<1x128xf32>
    %add3A_43 = vector.broadcast %get3A_42 : vector<1x128xf32> to vector<2000x128xf32>
    %add3A_44 = arith.addf %mul3A_39, %add3A_43 : vector<2000x128xf32>
    %swap3A = arith.constant 0 : index
    %swap3A_45 = arith.constant 0 : index
    %swap3A_46 = vector.load %arg9[%swap3A, %swap3A_45] : memref<2000x128xf32, #tpu.memory_space<vmem>>, vector<2000x128xf32>
    tpu.vector_store %arg9[%swap3A, %swap3A_45], %add3A_44 {strides = array<i32>} : memref<2000x128xf32, #tpu.memory_space<vmem>>, vector<2000x128xf32>,
    return
  }
  func.func @transform_0(%arg0: i32) -> (i32, i32, i32) {
    %c0_i32 = arith.constant 0 : i32
    %c0_i32_0 = arith.constant 0 : i32
    %c0_i32_1 = arith.constant 0 : i32
    return %c0_i32, %arg0, %c0_i32_0 : i32, i32, i32
  }
  func.func @transform_1(%arg0: i32) -> (i32, i32, i32) {
    %c1_i32 = arith.constant 1 : i32
    %c0_i32 = arith.constant 0 : i32
    %c0_i32_0 = arith.constant 0 : i32
    return %c1_i32, %arg0, %c0_i32 : i32, i32, i32
  }
  func.func @transform_2(%arg0: i32) -> (i32, i32) {
    %c0_i32 = arith.constant 0 : i32
    %c0_i32_0 = arith.constant 0 : i32
    return %arg0, %c0_i32 : i32, i32
  }
  func.func @transform_3(%arg0: i32) -> (i32, i32, i32) {
    %c0_i32 = arith.constant 0 : i32
    %c0_i32_0 = arith.constant 0 : i32
    %c0_i32_1 = arith.constant 0 : i32
    return %c0_i32, %arg0, %c0_i32_0 : i32, i32, i32
  }
  func.func @transform_4(%arg0: i32) -> (i32, i32, i32) {
    %c1_i32 = arith.constant 1 : i32
    %c0_i32 = arith.constant 0 : i32
    %c0_i32_0 = arith.constant 0 : i32
    return %c1_i32, %arg0, %c0_i32 : i32, i32, i32
  }
  func.func @transform_5(%arg0: i32) -> (i32, i32) {
    %c0_i32 = arith.constant 0 : i32
    %c0_i32_0 = arith.constant 0 : i32
    return %arg0, %c0_i32 : i32, i32
  }
  func.func @transform_6(%arg0: i32) -> (i32, i32) {
    %c0_i32 = arith.constant 0 : i32
    %c0_i32_0 = arith.constant 0 : i32
    %c0_i32_1 = arith.constant 0 : i32
    return %c0_i32, %c0_i32_0 : i32, i32
  }
  func.func @transform_7(%arg0: i32) -> (i32, i32) {
    %c0_i32 = arith.constant 0 : i32
    %c0_i32_0 = arith.constant 0 : i32
    %c0_i32_1 = arith.constant 0 : i32
    return %c0_i32, %c0_i32_0 : i32, i32
  }
  func.func @transform_8(%arg0: i32) -> (i32, i32) {
    %c0_i32 = arith.constant 0 : i32
    %c0_i32_0 = arith.constant 0 : i32
    return %arg0, %c0_i32 : i32, i32
  }
}

</mosaic_0001>

<sc_bundles>
// kernel: kernel.6.cloned.1.call-start
scs
__scs_entry_jumppad:
0x0: {  	(pc) =	sbr.rel $0x88, $3  }
0x1: {  	(tag) =	ssettag $0x0;
	lr =	simm.s32 $0x1  }
0x2: {  	[smem:$0x3F9C] =	sst lr;
	_ =	strace $0xD0000000  }
0x3: {  	_ = 	snop  }
0x4: {  	_ = 	snop  }
0x5: {  	_ = 	snop  }
0x6: {  	_ = 	snop  }
0x7: {  	_ = 	snop  }
__scs_overlays_trampoline_lowered:
0x8: {  	[smem:$0x3FAB] =	sst s0  }
0x9: {  	[smem:$0x3FAC] =	sst s1  }
0xa: {  	[smem:$0x3FAD] =	sst s2  }
0xb: {  	[smem:$0x3FAE] =	sst s3  }
0xc: {  	[smem:$0x3FAF] =	sst s4  }
0xd: {  	[smem:$0x3FB0] =	sst s5  }
0xe: {  	[smem:$0x3FB1] =	sst s6  }
0xf: {  	[smem:$0x3FB2] =	sst s7  }
0x10: {  	[smem:$0x3FB3] =	sst s8  }
0x11: {  	[smem:$0x3FB4] =	sst s9;
	s0 =	simm.s32 @!p0 $0x0  }
0x12: {  	s1 =	sld [smem:$0x3F9A];
	s0 =	simm.s32 @p0 $0x1  }
0x13: {  	[smem:$0x3FB5] =	sst s0;
	s0 =	simm.s32 @!p1 $0x0  }
0x14: {  	s2 =	sld [smem:$0x3F99];
	s0 =	simm.s32 @p1 $0x1  }
0x15: {  	[smem:$0x3FB6] =	sst s0;
	s0 =	simm.s32 @!p2 $0x0  }
0x16: {  	s3 =	sld [smem:$0x3FDB];
	s0 =	simm.s32 @p2 $0x1  }
0x17: {  	s4 =	simm.s32 $0x1BF5;
	[smem:$0x3FB8] =	sst s0  }
0x18: {  	s0 =	sld [smem:$0x3F9B];
	_ =	swait.ge [sflag:s4], $0x0  }
0x19: {  	s7 =	sld [smem:$0x3F9C]  }
0x1a: {  	s8 =	sadd.s32 $0xFFFFE003, lr  }
0x1b: {  	s9 =	sadd.s32 $0xFFFFFEF7, lr;
	s5 =	simm.s32 $0xFFFFFFFF;
	p2 =	slt.u32 s8, $0xFFFFF086  }
0x1c: {  	p1 =	slt.u32 s9, $0xF7A;
	s5 =	simm.s32 @!p2 $0x0  }
0x1d: {  	s5 =	simm.s32 @p1 $0x1;
	p0 =	seq.s32 s7, s2  }
0x1e: {  	s7 =	smul.u32 @!p0 $0xF7A, s2;
	p2 =	seq.s32 @!p0 s5, $0x0  }
0x1f: {  	s9 =	smul.u32 $0xF7A, s1;
	s8 =	simm.s32 @!p0 $0x1BF5;
	p2 =	por !p2, p0  }
0x20: {  	[sflag:s8] =	ssyncset.s32 @!p0 $0xFFFFF086;
	s6 =	sadd.s32 @!p0 s3, s7;
	s7 =	simm.s32 @!p0 $0x108  }
0x21: {  	s3 =	sadd.s32 s3, s9;
	s6 =	sadd.s32 @!p0 $0x88, s6;
	s7 =	simm.s32 @p2 $0x1082  }
0x22: {  	[simem:s7], [sflag:s8] =	dma.local @!p0 [hbm:s6], $0xF7A  }
0x23: {  	s9 =	sor.u32 $0xD0000000, s2;
	s6 =	simm.s32 $0x108;
	_ =	swait.ge @!p0 [sflag:s8], $0x0  }
0x24: {  	s3 =	sadd.s32 $0x88, s3;
	s6 =	simm.s32 @!p1 $0x1082;
	[sflag:s4] =	ssyncset.s32 $0xFFFFF086  }
0x25: {  	[simem:s6], [sflag:s4] =	dma.local [hbm:s3], $0xF7A  }
0x26: {  	[smem:$0x3F9C] =	sst s1;
	(tag) =	ssettag s2;
	_ =	strace s9  }
0x27: {  	s1 =	sld [smem:$0x3FAC]  }
0x28: {  	s2 =	sld [smem:$0x3FAD]  }
0x29: {  	s4 =	sld [smem:$0x3FAF]  }
0x2a: {  	p0 =	seq.s32 s5, $0x0;
	s5 =	sld [smem:$0x3FB0]  }
0x2b: {  	s6 =	sld [smem:$0x3FB1]  }
0x2c: {  	s7 =	sld [smem:$0x3FB2]  }
0x2d: {  	s3 =	simm.s32 $0x108;
	s8 =	sld [smem:$0x3FB3]  }
0x2e: {  	s3 =	simm.s32 @!p0 $0x1082;
	s9 =	sld [smem:$0x3FB4]  }
0x2f: {  	lr =	sadd.s32 s0, s3;
	s0 =	sld [smem:$0x3FAB]  }
0x30: {  	s3 =	sld [smem:$0x3FAE]  }
0x31: {  	[smem:$0x3FB7] =	sst s10  }
0x32: {  	s10 =	sld [smem:$0x3FB5];
	_ =	sdelay $0x3  }
0x33: {  	p0 =	seq.s32 s10, $0x1;
	s10 =	sld [smem:$0x3FB7];
	_ =	sdelay $0x3  }
0x34: {  	[smem:$0x3FB7] =	sst s10  }
0x35: {  	s10 =	sld [smem:$0x3FB6];
	_ =	sdelay $0x3  }
0x36: {  	p1 =	seq.s32 s10, $0x1;
	s10 =	sld [smem:$0x3FB7];
	_ =	sdelay $0x3  }
0x37: {  	[smem:$0x3FB7] =	sst s10  }
0x38: {  	s10 =	sld [smem:$0x3FB8]  }
0x39: {  	_ = 	snop;
	(pc) =	sbr.ind lr, $3  }
0x3a: {  	_ = 	snop  }
0x3b: {  	_ = 	snop  }
0x3c: {  	p2 =	seq.s32 s10, $0x1;
	s10 =	sld [smem:$0x3FB7]  }
0x3d: {  	_ =	shalt  }
0x3e: {  	_ =	shalt  }
0x3f: {  	_ =	shalt  }
0x40: {  	_ =	shalt  }
0x41: {  	_ =	shalt  }
0x42: {  	_ =	shalt  }
0x43: {  	_ =	shalt  }
0x44: {  	_ =	shalt  }
0x45: {  	_ =	shalt  }
0x46: {  	_ =	shalt  }
0x47: {  	_ =	shalt  }
0x48: {  	_ =	shalt  }
0x49: {  	_ =	shalt  }
0x4a: {  	_ =	shalt  }
0x4b: {  	_ =	shalt  }
0x4c: {  	_ =	shalt  }
0x4d: {  	_ =	shalt  }
0x4e: {  	_ =	shalt  }
0x4f: {  	_ =	shalt  }
0x50: {  	_ =	shalt  }
0x51: {  	_ =	shalt  }
0x52: {  	_ =	shalt  }
0x53: {  	_ =	shalt  }
0x54: {  	_ =	shalt  }
0x55: {  	_ =	shalt  }
0x56: {  	_ =	shalt  }
0x57: {  	_ =	shalt  }
0x58: {  	_ =	shalt  }
0x59: {  	_ =	shalt  }
0x5a: {  	_ =	shalt  }
0x5b: {  	_ =	shalt  }
0x5c: {  	_ =	shalt  }
0x5d: {  	_ =	shalt  }
0x5e: {  	_ =	shalt  }
0x5f: {  	_ =	shalt  }
0x60: {  	_ =	shalt  }
0x61: {  	_ =	shalt  }
0x62: {  	_ =	shalt  }
0x63: {  	_ =	shalt  }
0x64: {  	_ =	shalt  }
0x65: {  	_ =	shalt  }
0x66: {  	_ =	shalt  }
0x67: {  	_ =	shalt  }
0x68: {  	_ =	shalt  }
0x69: {  	_ =	shalt  }
0x6a: {  	_ =	shalt  }
0x6b: {  	_ =	shalt  }
0x6c: {  	_ =	shalt  }
0x6d: {  	_ =	shalt  }
0x6e: {  	_ =	shalt  }
0x6f: {  	_ =	shalt  }
0x70: {  	_ =	shalt  }
0x71: {  	_ =	shalt  }
0x72: {  	_ =	shalt  }
0x73: {  	_ =	shalt  }
0x74: {  	_ =	shalt  }
0x75: {  	_ =	shalt  }
0x76: {  	_ =	shalt  }
0x77: {  	_ =	shalt  }
0x78: {  	_ =	shalt  }
0x79: {  	_ =	shalt  }
0x7a: {  	_ =	shalt  }
0x7b: {  	_ =	shalt  }
0x7c: {  	_ =	shalt  }
0x7d: {  	_ =	shalt  }
0x7e: {  	_ =	shalt  }
0x7f: {  	_ =	shalt  }
0x80: {  	_ =	shalt  }
0x81: {  	_ =	shalt  }
0x82: {  	_ =	shalt  }
0x83: {  	_ =	shalt  }
0x84: {  	_ =	shalt  }
0x85: {  	_ =	shalt  }
0x86: {  	_ =	shalt  }
0x87: {  	_ =	shalt  }
.Lfunc_end0:
.L_simem_size_0:
called_computation_lowered:
.L_overlay_start_0:
0x88: {  	s2 =	sld [smem:$0x3FD9]  }
0x89: {  	s3 =	sld [smem:$0x3FFE];
	_ =	sdelay $0x1  }
0x8a: {  	s1 =	srdreg.scid  }
0x8b: {  	s0 =	sand.u32 $0x1, s1  }
0x8c: {  	s17 =	sshll.u32 s0, $0xA;
	s2 =	sadd.s32 s3, s2  }
0x8d: {  	s2 =	sadd.s32 s2, s17  }
0x8e: {  	[smem:$0x3FC3] =	sst s2  }
0x8f: {  	_ = 	snop  }
0x90: {  	s2 =	sld [smem:$0x3FD0];
	(tm) =	ssettm $0x1  }
0x91: {  	s18 =	sld [smem:$0x3FFB];
	_ =	sdelay $0x3  }
0x92: {  	_ =	strace s18  }
0x93: {  	s3 =	sld [smem:$0x3FFC];
	_ =	sdelay $0x3  }
0x94: {  	_ =	strace s3  }
0x95: {  	s3 =	sld [smem:$0x3FFD];
	_ =	sdelay $0x3  }
0x96: {  	_ =	strace s3  }
0x97: {  	_ =	strace $0x8FFFFFFF  }
0x98: {  	s19 =	sld [smem:$0x3FDB];
	_ =	sdelay $0x1  }
0x99: {  	s4 =	simm.s32 $_scs_section_size  }
0x9a: {  	s5 =	simm.s32 $_size__tile_overlayer_lowered;
	s6 =	simm.s32 $_tile_overlayer_lowered  }
0x9b: {  	s22 =	simm.s32 $0x1BFF;
	s21 =	sshll.u32 s6, $0x1;
	s3 =	sadd.s32 s4, s19  }
0x9c: {  	s7 =	simm.s32 $0x0;
	s20 =	sshll.u32 s5, $0x1;
	s5 =	sadd.s32 s21, s3  }
0x9d: {  	[timem:s7], [sflag:s22] =	dma.local [hbm:s5], s20  }
0x9e: {  	_ =	swait.ge [sflag:s22], s20  }
0x9f: {  	s4 =	ssub.s32 $0x0, s20;
	[sflag:s22] =	ssyncset.done $0x0  }
0xa0: {  	[sflag:s22] =	ssyncadd.s32 s4;
	_ =	sdelay $0x1  }
0xa1: {  	s23 =	simm.s32 $0x1B8B  }
0xa2: {  	_ =	swait.ge [sflag:s23], $0x1  }
0xa3: {  	[sflag:s23] =	ssyncset.done $0x0  }
0xa4: {  	s25 =	simm.s32 $0x1B8E;
	s24 =	sld [smem:$0x3FFE];
	[sflag:s23] =	ssyncadd.s32 $0xFFFFFFFF  }
0xa5: {  	s26 =	simm.s32 $execute0_lowered;
	[smem:$0x3FD2] =	sst s25  }
0xa6: {  	s5 =	sshll.u32 s26, $0x1;
	_ =	strace $0x80000046;
	[dreg:$0x1] =	wrdreg $0xFFFFFFFF  }
0xa7: {  	s28 =	simm.s32 $_size_execute0_lowered;
	s3 =	sadd.s32 s3, s5;
	[dreg:$0x0] =	wrdreg $0x0  }
0xa8: {  	s5 =	sshll.u32 s28, $0x1;
	[dreg:$0x2] =	wrdreg s3  }
0xa9: {  	[dreg:$0x3] =	wrdreg s5  }
0xaa: {  	[dreg:$0x4] =	wrdreg $0xC0  }
0xab: {  	_ =	task [dreg:s7], $0x5FFFF  }
0xac: {  	[dreg:$0x1] =	wrdreg $0xFFFFFFFF  }
0xad: {  	[dreg:$0x0] =	wrdreg $0x60  }
0xae: {  	[dreg:$0x2] =	wrdreg s2  }
0xaf: {  	[dreg:$0x3] =	wrdreg s24  }
0xb0: {  	[dreg:$0x4] =	wrdreg $0x7000  }
0xb1: {  	[dreg:$0x5] =	wrdreg $0x9  }
0xb2: {  	_ =	task.clear_ibuf [dreg:s7], $0x6FFFF;
	_ =	strace $0x90000046  }
0xb3: {  	s29 =	simm.s32 $0x9;
	_ =	strace $0x80000048  }
0xb4: {  	_ =	swait.ge [sflag:s29], $0x1  }
0xb5: {  	[sflag:s29] =	ssyncadd.s32 $0xFFFFFFFF  }
0xb6: {  	_ =	strace $0x90000048  }
0xb7: {  	_ =	sfence  }
0xb8: {  	s30 =	sld [smem:$0x0];
	_ =	sdelay $0x2  }
0xb9: {  	s31 =	sshll.u32 s1, $0xD;
	s1 =	sshrl.u32 s1, $0x2  }
0xba: {  	s3 =	sand.u32 $0x4000, s31;
	s1 =	sadd.s32 s1, s30  }
0xbb: {  	s0 =	sor.u32 s3, s0;
	s1 =	sshll.u32 s1, $0x11  }
0xbc: {  	s0 =	sor.u32 s1, s0  }
0xbd: {  	s0 =	sadd.s32 $0x8F2B, s0  }
0xbe: {  	[sflag:s0] =	ssyncadd.remote.s32 $0x1  }
0xbf: {  	_ =	sfence.sel $0xFFFF  }
0xc0: {  	[dreg:$0x0] =	wrdreg $0xFFFFFFFF;
	(pc) =	sbr.abs _section_cstart, $3  }
0xc1: {  	[dreg:$0x1] =	wrdreg $0xFFFFFFFF  }
0xc2: {  	_ =	task.clear_ibuf [dreg:s7], $0x2FFFF;
	_ =	strace $0x9FFFFFFF  }
0xc3: {  	(tm) =	ssettm $0x7FFFFFFF  }
tec
execute0_lowered:
.L_overlay_start_1:
0x0: {  	(tag) =	ssettag $0x1  }
0x1: {  	s7 =	rddreg [dreg:$0x0]  }
0x2: {  	s4 =	rddreg [dreg:$0x1]  }
0x3: {  	s1 =	srdreg.scid;
	s0 =	stileid.u32  }
0x4: {  	s2 =	rddreg [dreg:$0x2];
	s3 =	simm.s32 $0x0;
	s13 =	simm.s32 $0x480  }
0x5: {  	s14 =	simm.s32 $0x500;
	s15 =	simm.s32 $0x580;
	s16 =	simm.s32 $0x600  }
0x6: {  	s17 =	simm.s32 $0x680;
	s18 =	simm.s32 $0x1;
	s21 =	simm.s32 $0x20  }
0x7: {  	s22 =	simm.s32 $0x10;
	s5 =	sand.u32 $0x1, s1;
	s1 =	rddreg [dreg:$0x3]  }
0x8: {  	s23 =	simm.s32 $0x0;
	s8 =	smul.u32 $0x500, s0;
	[smem:$0x7FF] =	sst s3  }
0x9: {  	s9 =	smul.u32 $0xA00, s0;
	s19 =	sshll.u32 s0, $0x6;
	s6 =	sshll.u32 s5, $0x7  }
0xa: {  	_ =	strace $0x80000047;
	s10 =	ssub.s32 $0x2, s5;
	s12 =	smul.u32 $0x5000, s5  }
0xb: {  	s19 =	sor.u32 $0x1C02, s19;
	s6 =	sor.u32 s6, s8;
	s11 =	sshrl.u32 s10, $0x1  }
0xc: {  	s9 =	sshrl.u32 s9, $0x2;
	s6 =	sshrl.u32 s6, $0x3;
	s31 =	ssub.s32 s10, s11  }
0xd: {  	s7 =	sadd.s32 s12, s7;
	s10 =	simm.s32 $0x300;
	s11 =	simm.s32 $0x380  }
0xe: {  	s12 =	simm.s32 $0x400;
	s30 =	sadd.s32 s6, s4;
	s4 =	sadd.s32 s9, s2  }
0xf: {  	s6 =	smax.u32 s31, $0x1;
	s7 =	sadd.s32 s8, s7;
	s8 =	simm.s32 $0x80  }
0x10: {  	v0 =	vimm.f32 $1.000000000e+00;
	v1 =	vimm.f32 $0.0e+00;
	s9 =	simm.s32 $0x2;
	s5 =	sadd.s32 $0x1600, s30;
	s20 =	sshrl.u32 s4, $0x3  }
.LBB2_1:
0x11: {  	[tilespmem:$0x0] =	vst v0  }
0x12: {  	[tilespmem:$0x10] =	vst v0  }
0x13: {  	[tilespmem:$0x20] =	vst v0  }
0x14: {  	[tilespmem:$0x30] =	vst v0  }
0x15: {  	[tilespmem:$0x40] =	vst v0  }
0x16: {  	[tilespmem:$0x50] =	vst v0  }
0x17: {  	[tilespmem:$0x60] =	vst v0  }
0x18: {  	[tilespmem:$0x70] =	vst v0  }
0x19: {  	[tilespmem:$0x80] =	vst v1  }
0x1a: {  	[tilespmem:$0x90] =	vst v1  }
0x1b: {  	[tilespmem:$0xA0] =	vst v1  }
0x1c: {  	[tilespmem:$0xB0] =	vst v1  }
0x1d: {  	[tilespmem:$0xC0] =	vst v1  }
0x1e: {  	[tilespmem:$0xD0] =	vst v1  }
0x1f: {  	[tilespmem:$0xE0] =	vst v1  }
0x20: {  	[tilespmem:$0xF0] =	vst v1  }
0x21: {  	[tilespmem:$0x100] =	vst v1  }
0x22: {  	[tilespmem:$0x110] =	vst v1  }
0x23: {  	[tilespmem:$0x120] =	vst v1  }
0x24: {  	[tilespmem:$0x130] =	vst v1  }
0x25: {  	[tilespmem:$0x140] =	vst v1  }
0x26: {  	[tilespmem:$0x150] =	vst v1  }
0x27: {  	[tilespmem:$0x160] =	vst v1  }
0x28: {  	[tilespmem:$0x170] =	vst v1  }
0x29: {  	[tilespmem:$0x180] =	vst v1  }
0x2a: {  	[tilespmem:$0x190] =	vst v1  }
0x2b: {  	[tilespmem:$0x1A0] =	vst v1  }
0x2c: {  	[tilespmem:$0x1B0] =	vst v1  }
0x2d: {  	[tilespmem:$0x1C0] =	vst v1  }
0x2e: {  	[tilespmem:$0x1D0] =	vst v1  }
0x2f: {  	[tilespmem:$0x1E0] =	vst v1  }
0x30: {  	[tilespmem:$0x1F0] =	vst v1  }
0x31: {  	[tilespmem:$0x200] =	vst v1  }
0x32: {  	[tilespmem:$0x210] =	vst v1  }
0x33: {  	[tilespmem:$0x220] =	vst v1  }
0x34: {  	[tilespmem:$0x230] =	vst v1  }
0x35: {  	[tilespmem:$0x240] =	vst v1  }
0x36: {  	[tilespmem:$0x250] =	vst v1  }
0x37: {  	[tilespmem:$0x260] =	vst v1  }
0x38: {  	[tilespmem:$0x270] =	vst v1  }
0x39: {  	[tilespmem:$0x280] =	vst v1  }
0x3a: {  	[tilespmem:$0x290] =	vst v1  }
0x3b: {  	[tilespmem:$0x2A0] =	vst v1  }
0x3c: {  	[tilespmem:$0x2B0] =	vst v1  }
0x3d: {  	[tilespmem:$0x2C0] =	vst v1  }
0x3e: {  	[tilespmem:$0x2D0] =	vst v1  }
0x3f: {  	[tilespmem:$0x2E0] =	vst v1  }
0x40: {  	[tilespmem:$0x2F0] =	vst v1  }
0x41: {  	[spmem:s4] =	stream.linear.scatter [tilespmem:s8], [sflag:$0x2], $0x280, $0x38;
	[tilespmem:$0x980] =	vst v63  }
0x42: {  	_ =	swait.ge [sflag:s9], $0x280  }
0x43: {  	[sflag:s9] =	ssyncset.done $0x0  }
0x44: {  	[sflag:s9] =	ssyncadd.s32 $0xFFFFFD80  }
0x45: {  	s24 =	sadd.s32 $0x0, s7;
	[bflag:$0x0] =	sbarrier.arrive $0xFFFF  }
0x46: {  	[tilespmem:s10], [sflag:$0x2] =	stream.linear.gather [hbm4b:s24+s3], $0x400, $0x38;
	[tilespmem:$0x980] =	vst v63  }
0x47: {  	_ =	swait.ge [sflag:s9], $0x400  }
0x48: {  	[sflag:s9] =	ssyncset.done $0x0  }
0x49: {  	[sflag:s9] =	ssyncadd.s32 $0xFFFFFC00  }
0x4a: {  	[spmem:s2] =	stream.indirect.scatter.add.f32 [tilespmem:s3], [sflag:$0x1], $0x1, s10, s8, $0xb8;
	[tilespmem:$0x980] =	vst v63  }
0x4b: {  	_ = 	snop  }
0x4c: {  	[spmem:s2] =	stream.indirect.scatter.add.f32 [tilespmem:s3], [sflag:$0x1], $0x1, s11, s8, $0xb8;
	[tilespmem:$0x980] =	vst v63  }
0x4d: {  	_ = 	snop  }
0x4e: {  	[spmem:s2] =	stream.indirect.scatter.add.f32 [tilespmem:s3], [sflag:$0x1], $0x1, s12, s8, $0xb8;
	[tilespmem:$0x980] =	vst v63  }
0x4f: {  	_ = 	snop  }
0x50: {  	[spmem:s2] =	stream.indirect.scatter.add.f32 [tilespmem:s3], [sflag:$0x1], $0x1, s13, s8, $0xb8;
	[tilespmem:$0x980] =	vst v63  }
0x51: {  	_ = 	snop  }
0x52: {  	[spmem:s2] =	stream.indirect.scatter.add.f32 [tilespmem:s3], [sflag:$0x1], $0x1, s14, s8, $0xb8;
	[tilespmem:$0x980] =	vst v63  }
0x53: {  	_ = 	snop  }
0x54: {  	[spmem:s2] =	stream.indirect.scatter.add.f32 [tilespmem:s3], [sflag:$0x1], $0x1, s15, s8, $0xb8;
	[tilespmem:$0x980] =	vst v63  }
0x55: {  	_ = 	snop  }
0x56: {  	[spmem:s2] =	stream.indirect.scatter.add.f32 [tilespmem:s3], [sflag:$0x1], $0x1, s16, s8, $0xb8;
	[tilespmem:$0x980] =	vst v63  }
0x57: {  	_ = 	snop  }
0x58: {  	[spmem:s2] =	stream.indirect.scatter.add.f32 [tilespmem:s3], [sflag:$0x1], $0x1, s17, s8, $0xb8;
	[tilespmem:$0x980] =	vst v63  }
0x59: {  	_ =	swait.ge [sflag:s18], $0x80  }
0x5a: {  	[sflag:s18] =	ssyncset.done $0x0  }
0x5b: {  	[sflag:s18] =	ssyncadd.s32 $0xFFFFFF80  }
0x5c: {  	_ =	swait.ge [sflag:s18], $0x80  }
0x5d: {  	[sflag:s18] =	ssyncset.done $0x0  }
0x5e: {  	[sflag:s18] =	ssyncadd.s32 $0xFFFFFF80  }
0x5f: {  	_ =	swait.ge [sflag:s18], $0x80  }
0x60: {  	[sflag:s18] =	ssyncset.done $0x0  }
0x61: {  	[sflag:s18] =	ssyncadd.s32 $0xFFFFFF80  }
0x62: {  	_ =	swait.ge [sflag:s18], $0x80  }
0x63: {  	[sflag:s18] =	ssyncset.done $0x0  }
0x64: {  	[sflag:s18] =	ssyncadd.s32 $0xFFFFFF80  }
0x65: {  	_ =	swait.ge [sflag:s18], $0x80  }
0x66: {  	[sflag:s18] =	ssyncset.done $0x0  }
0x67: {  	[sflag:s18] =	ssyncadd.s32 $0xFFFFFF80  }
0x68: {  	_ =	swait.ge [sflag:s18], $0x80  }
0x69: {  	[sflag:s18] =	ssyncset.done $0x0  }
0x6a: {  	[sflag:s18] =	ssyncadd.s32 $0xFFFFFF80  }
0x6b: {  	_ =	swait.ge [sflag:s18], $0x80  }
0x6c: {  	[sflag:s18] =	ssyncset.done $0x0  }
0x6d: {  	[sflag:s18] =	ssyncadd.s32 $0xFFFFFF80  }
0x6e: {  	_ =	swait.ge [sflag:s18], $0x80  }
0x6f: {  	s26 =	simm.s32 $0x100;
	s24 =	simm.s32 $0x80;
	[sflag:s18] =	ssyncset.done $0x0  }
.LBB2_2:
0x70: {  	s28 =	sadd.s32 s24, s7  }
0x71: {  	[sflag:s18] =	ssyncadd.s32 $0xFFFFFF80;
	s24 =	smov.u32 s26;
	s25 =	sadd.s32 $0x80, s26  }
0x72: {  	[tilespmem:s10], [sflag:$0x2] =	stream.linear.gather [hbm4b:s28+s3], $0x400, $0x38;
	[tilespmem:$0x980] =	vst v63  }
0x73: {  	p0 =	sne.s32 s26, $0x480;
	_ =	swait.ge [sflag:s9], $0x400  }
0x74: {  	[sflag:s9] =	ssyncset.done $0x0  }
0x75: {  	[sflag:s9] =	ssyncadd.s32 $0xFFFFFC00  }
0x76: {  	[spmem:s2] =	stream.indirect.scatter.add.f32 [tilespmem:s3], [sflag:$0x1], $0x1, s10, s8, $0xb8;
	[tilespmem:$0x980] =	vst v63  }
0x77: {  	_ = 	snop  }
0x78: {  	[spmem:s2] =	stream.indirect.scatter.add.f32 [tilespmem:s3], [sflag:$0x1], $0x1, s11, s8, $0xb8;
	[tilespmem:$0x980] =	vst v63  }
0x79: {  	_ = 	snop  }
0x7a: {  	[spmem:s2] =	stream.indirect.scatter.add.f32 [tilespmem:s3], [sflag:$0x1], $0x1, s12, s8, $0xb8;
	[tilespmem:$0x980] =	vst v63  }
0x7b: {  	_ = 	snop  }
0x7c: {  	[spmem:s2] =	stream.indirect.scatter.add.f32 [tilespmem:s3], [sflag:$0x1], $0x1, s13, s8, $0xb8;
	[tilespmem:$0x980] =	vst v63  }
0x7d: {  	_ = 	snop  }
0x7e: {  	[spmem:s2] =	stream.indirect.scatter.add.f32 [tilespmem:s3], [sflag:$0x1], $0x1, s14, s8, $0xb8;
	[tilespmem:$0x980] =	vst v63  }
0x7f: {  	_ = 	snop  }
0x80: {  	[spmem:s2] =	stream.indirect.scatter.add.f32 [tilespmem:s3], [sflag:$0x1], $0x1, s15, s8, $0xb8;
	[tilespmem:$0x980] =	vst v63  }
0x81: {  	_ = 	snop  }
0x82: {  	[spmem:s2] =	stream.indirect.scatter.add.f32 [tilespmem:s3], [sflag:$0x1], $0x1, s16, s8, $0xb8;
	[tilespmem:$0x980] =	vst v63  }
0x83: {  	_ = 	snop  }
0x84: {  	[spmem:s2] =	stream.indirect.scatter.add.f32 [tilespmem:s3], [sflag:$0x1], $0x1, s17, s8, $0xb8;
	[tilespmem:$0x980] =	vst v63  }
0x85: {  	_ =	swait.ge [sflag:s18], $0x80  }
0x86: {  	[sflag:s18] =	ssyncset.done $0x0  }
0x87: {  	[sflag:s18] =	ssyncadd.s32 $0xFFFFFF80  }
0x88: {  	_ =	swait.ge [sflag:s18], $0x80  }
0x89: {  	[sflag:s18] =	ssyncset.done $0x0  }
0x8a: {  	[sflag:s18] =	ssyncadd.s32 $0xFFFFFF80  }
0x8b: {  	_ =	swait.ge [sflag:s18], $0x80  }
0x8c: {  	[sflag:s18] =	ssyncset.done $0x0  }
0x8d: {  	[sflag:s18] =	ssyncadd.s32 $0xFFFFFF80  }
0x8e: {  	_ =	swait.ge [sflag:s18], $0x80  }
0x8f: {  	[sflag:s18] =	ssyncset.done $0x0  }
0x90: {  	[sflag:s18] =	ssyncadd.s32 $0xFFFFFF80  }
0x91: {  	_ =	swait.ge [sflag:s18], $0x80  }
0x92: {  	[sflag:s18] =	ssyncset.done $0x0  }
0x93: {  	[sflag:s18] =	ssyncadd.s32 $0xFFFFFF80  }
0x94: {  	_ =	swait.ge [sflag:s18], $0x80  }
0x95: {  	[sflag:s18] =	ssyncset.done $0x0  }
0x96: {  	[sflag:s18] =	ssyncadd.s32 $0xFFFFFF80  }
.Ltmp0:
0x97: {  	_ =	swait.ge [sflag:s18], $0x80;
	(pc) =	sbr.rel @p0 .LBB2_2-.Ltmp0, $4  }
0x98: {  	[sflag:s18] =	ssyncset.done $0x0  }
0x99: {  	[sflag:s18] =	ssyncadd.s32 $0xFFFFFF80  }
0x9a: {  	_ =	swait.ge [sflag:s18], $0x80  }
0x9b: {  	s26 =	smov.u32 s25;
	[sflag:s18] =	ssyncset.done $0x0  }
0x9c: {  	s24 =	sadd.s32 s24, s7;
	[sflag:s18] =	ssyncadd.s32 $0xFFFFFF80  }
0x9d: {  	[tilespmem:s10], [sflag:$0x2] =	stream.linear.gather [hbm4b:s24+s3], $0x400, $0x38;
	[tilespmem:$0x980] =	vst v63  }
0x9e: {  	_ =	swait.ge [sflag:s9], $0x400  }
0x9f: {  	[sflag:s9] =	ssyncset.done $0x0  }
0xa0: {  	[sflag:s9] =	ssyncadd.s32 $0xFFFFFC00  }
0xa1: {  	[spmem:s2] =	stream.indirect.scatter.add.f32 [tilespmem:s3], [sflag:$0x1], $0x1, s10, s8, $0xb8;
	[tilespmem:$0x980] =	vst v63  }
0xa2: {  	_ = 	snop  }
0xa3: {  	[spmem:s2] =	stream.indirect.scatter.add.f32 [tilespmem:s3], [sflag:$0x1], $0x1, s11, s8, $0xb8;
	[tilespmem:$0x980] =	vst v63  }
0xa4: {  	_ = 	snop  }
0xa5: {  	[spmem:s2] =	stream.indirect.scatter.add.f32 [tilespmem:s3], [sflag:$0x1], $0x1, s12, s8, $0xb8;
	[tilespmem:$0x980] =	vst v63  }
0xa6: {  	_ = 	snop  }
0xa7: {  	[spmem:s2] =	stream.indirect.scatter.add.f32 [tilespmem:s3], [sflag:$0x1], $0x1, s13, s8, $0xb8;
	[tilespmem:$0x980] =	vst v63  }
0xa8: {  	_ = 	snop  }
0xa9: {  	[spmem:s2] =	stream.indirect.scatter.add.f32 [tilespmem:s3], [sflag:$0x1], $0x1, s14, s8, $0xb8;
	[tilespmem:$0x980] =	vst v63  }
0xaa: {  	_ = 	snop  }
0xab: {  	[spmem:s2] =	stream.indirect.scatter.add.f32 [tilespmem:s3], [sflag:$0x1], $0x1, s15, s8, $0xb8;
	[tilespmem:$0x980] =	vst v63  }
0xac: {  	_ = 	snop  }
0xad: {  	[spmem:s2] =	stream.indirect.scatter.add.f32 [tilespmem:s3], [sflag:$0x1], $0x1, s16, s8, $0xb8;
	[tilespmem:$0x980] =	vst v63  }
0xae: {  	_ = 	snop  }
0xaf: {  	[spmem:s2] =	stream.indirect.scatter.add.f32 [tilespmem:s3], [sflag:$0x1], $0x1, s17, s8, $0xb8;
	[tilespmem:$0x980] =	vst v63  }
0xb0: {  	_ =	swait.ge [sflag:s18], $0x80  }
0xb1: {  	[sflag:s18] =	ssyncset.done $0x0  }
0xb2: {  	[sflag:s18] =	ssyncadd.s32 $0xFFFFFF80  }
0xb3: {  	_ =	swait.ge [sflag:s18], $0x80  }
0xb4: {  	[sflag:s18] =	ssyncset.done $0x0  }
0xb5: {  	[sflag:s18] =	ssyncadd.s32 $0xFFFFFF80  }
0xb6: {  	_ =	swait.ge [sflag:s18], $0x80  }
0xb7: {  	[sflag:s18] =	ssyncset.done $0x0  }
0xb8: {  	[sflag:s18] =	ssyncadd.s32 $0xFFFFFF80  }
0xb9: {  	_ =	swait.ge [sflag:s18], $0x80  }
0xba: {  	[sflag:s18] =	ssyncset.done $0x0  }
0xbb: {  	[sflag:s18] =	ssyncadd.s32 $0xFFFFFF80  }
0xbc: {  	_ =	swait.ge [sflag:s18], $0x80  }
0xbd: {  	[sflag:s18] =	ssyncset.done $0x0  }
0xbe: {  	[sflag:s18] =	ssyncadd.s32 $0xFFFFFF80  }
0xbf: {  	_ =	swait.ge [sflag:s18], $0x80  }
0xc0: {  	[sflag:s18] =	ssyncset.done $0x0  }
0xc1: {  	[sflag:s18] =	ssyncadd.s32 $0xFFFFFF80  }
0xc2: {  	_ =	swait.ge [sflag:s18], $0x80  }
0xc3: {  	[sflag:s18] =	ssyncset.done $0x0  }
0xc4: {  	[sflag:s18] =	ssyncadd.s32 $0xFFFFFF80  }
0xc5: {  	_ =	swait.ge [sflag:s18], $0x80  }
0xc6: {  	s23 =	sadd.s32 $0x1, s23;
	[sflag:s18] =	ssyncset.done $0x0  }
0xc7: {  	p0 =	sne.s32 s23, s6;
	[sflag:s18] =	ssyncadd.s32 $0xFFFFFF80  }
.Ltmp1:
0xc8: {  	[bflag:$0x0] =	sbarrier.arrive $0xFFFF;
	(pc) =	sbr.rel @p0 .LBB2_1-.Ltmp1, $4  }
0xc9: {  	[hbm:s5@s21], [sflag:s19] =	dma.strided [spmem:s20@s22], $0x50, s18, $0x10   }
0xca: {  	_ =	swait.ge [sflag:s9], $0x50  }
0xcb: {  	[sflag:s9] =	ssyncset.done $0x0  }
0xcc: {  	[sflag:s9] =	ssyncadd.s32 $0xFFFFFFB0  }
0xcd: {  	_ =	sfence.sel $0x180000  }
0xce: {  	[bflag:$0x0] =	sbarrier.arrive $0xFFFF  }
0xcf: {  	p0 =	sne.s32 s0, $0x0;
	_ =	strace $0x90000047  }
0xd0: {  	s0 =	sadd.s32 @!p0 $0x100000, s1;
	[bflag:$0x2] =	sbarrier.arrive $0xFFFF  }
0xd1: {  	[sflag:s0] =	ssyncadd.tile.s32 @!p0 $0x1;
	_ =	shalt  }
.Lfunc_end2:
_tile_overlayer_lowered:
.L_overlay_start_2:
0xd2: {  	(tag) =	ssettag $0x2  }
0xd3: {  	s0 =	rddreg [dreg:$0x0];
	s2 =	stileid.u32  }
0xd4: {  	s1 =	rddreg [dreg:$0x1];
	p0 =	sne.s32 s2, $0x0  }
0xd5: {  	s3 =	rddreg [dreg:$0x2];
	[bflag:$0x3] =	sbarrier.arrive $0xFFFF;
	s2 =	simm.s32 @!p0 $0x1C02  }
0xd6: {  	[timem:s3], [sflag:s2] =	dma.local @!p0 [hbm:s0], s1  }
0xd7: {  	s0 =	simm.s32 @!p0 $0x2  }
0xd8: {  	_ =	swait.ge @!p0 [sflag:s0], s1  }
0xd9: {  	s1 =	ssub.s32 @!p0 $0x0, s1;
	[sflag:s0] =	ssyncset.done @!p0 $0x0  }
0xda: {  	[sflag:s0] =	ssyncadd.s32 @!p0 s1  }
0xdb: {  	[bflag:$0x3] =	sbarrier.arrive $0xFFFF  }
0xdc: {  	_ =	shalt  }

// kernel: kernel.9.cloned.1.call-start
scs
__scs_entry_jumppad:
0x0: {  	(pc) =	sbr.rel $0x88, $3  }
0x1: {  	(tag) =	ssettag $0x0;
	lr =	simm.s32 $0x1  }
0x2: {  	[smem:$0x3F9C] =	sst lr;
	_ =	strace $0xD0000000  }
0x3: {  	_ = 	snop  }
0x4: {  	_ = 	snop  }
0x5: {  	_ = 	snop  }
0x6: {  	_ = 	snop  }
0x7: {  	_ = 	snop  }
__scs_overlays_trampoline_lowered:
0x8: {  	[smem:$0x3FAB] =	sst s0  }
0x9: {  	[smem:$0x3FAC] =	sst s1  }
0xa: {  	[smem:$0x3FAD] =	sst s2  }
0xb: {  	[smem:$0x3FAE] =	sst s3  }
0xc: {  	[smem:$0x3FAF] =	sst s4  }
0xd: {  	[smem:$0x3FB0] =	sst s5  }
0xe: {  	[smem:$0x3FB1] =	sst s6  }
0xf: {  	[smem:$0x3FB2] =	sst s7  }
0x10: {  	[smem:$0x3FB3] =	sst s8  }
0x11: {  	[smem:$0x3FB4] =	sst s9;
	s0 =	simm.s32 @!p0 $0x0  }
0x12: {  	s1 =	sld [smem:$0x3F9A];
	s0 =	simm.s32 @p0 $0x1  }
0x13: {  	[smem:$0x3FB5] =	sst s0;
	s0 =	simm.s32 @!p1 $0x0  }
0x14: {  	s2 =	sld [smem:$0x3F99];
	s0 =	simm.s32 @p1 $0x1  }
0x15: {  	[smem:$0x3FB6] =	sst s0;
	s0 =	simm.s32 @!p2 $0x0  }
0x16: {  	s3 =	sld [smem:$0x3FDB];
	s0 =	simm.s32 @p2 $0x1  }
0x17: {  	s4 =	simm.s32 $0x1BF5;
	[smem:$0x3FB8] =	sst s0  }
0x18: {  	s0 =	sld [smem:$0x3F9B];
	_ =	swait.ge [sflag:s4], $0x0  }
0x19: {  	s7 =	sld [smem:$0x3F9C]  }
0x1a: {  	s8 =	sadd.s32 $0xFFFFE003, lr  }
0x1b: {  	s9 =	sadd.s32 $0xFFFFFEF7, lr;
	s5 =	simm.s32 $0xFFFFFFFF;
	p2 =	slt.u32 s8, $0xFFFFF086  }
0x1c: {  	p1 =	slt.u32 s9, $0xF7A;
	s5 =	simm.s32 @!p2 $0x0  }
0x1d: {  	s5 =	simm.s32 @p1 $0x1;
	p0 =	seq.s32 s7, s2  }
0x1e: {  	s7 =	smul.u32 @!p0 $0xF7A, s2;
	p2 =	seq.s32 @!p0 s5, $0x0  }
0x1f: {  	s9 =	smul.u32 $0xF7A, s1;
	s8 =	simm.s32 @!p0 $0x1BF5;
	p2 =	por !p2, p0  }
0x20: {  	[sflag:s8] =	ssyncset.s32 @!p0 $0xFFFFF086;
	s6 =	sadd.s32 @!p0 s3, s7;
	s7 =	simm.s32 @!p0 $0x108  }
0x21: {  	s3 =	sadd.s32 s3, s9;
	s6 =	sadd.s32 @!p0 $0x88, s6;
	s7 =	simm.s32 @p2 $0x1082  }
0x22: {  	[simem:s7], [sflag:s8] =	dma.local @!p0 [hbm:s6], $0xF7A  }
0x23: {  	s9 =	sor.u32 $0xD0000000, s2;
	s6 =	simm.s32 $0x108;
	_ =	swait.ge @!p0 [sflag:s8], $0x0  }
0x24: {  	s3 =	sadd.s32 $0x88, s3;
	s6 =	simm.s32 @!p1 $0x1082;
	[sflag:s4] =	ssyncset.s32 $0xFFFFF086  }
0x25: {  	[simem:s6], [sflag:s4] =	dma.local [hbm:s3], $0xF7A  }
0x26: {  	[smem:$0x3F9C] =	sst s1;
	(tag) =	ssettag s2;
	_ =	strace s9  }
0x27: {  	s1 =	sld [smem:$0x3FAC]  }
0x28: {  	s2 =	sld [smem:$0x3FAD]  }
0x29: {  	s4 =	sld [smem:$0x3FAF]  }
0x2a: {  	p0 =	seq.s32 s5, $0x0;
	s5 =	sld [smem:$0x3FB0]  }
0x2b: {  	s6 =	sld [smem:$0x3FB1]  }
0x2c: {  	s7 =	sld [smem:$0x3FB2]  }
0x2d: {  	s3 =	simm.s32 $0x108;
	s8 =	sld [smem:$0x3FB3]  }
0x2e: {  	s3 =	simm.s32 @!p0 $0x1082;
	s9 =	sld [smem:$0x3FB4]  }
0x2f: {  	lr =	sadd.s32 s0, s3;
	s0 =	sld [smem:$0x3FAB]  }
0x30: {  	s3 =	sld [smem:$0x3FAE]  }
0x31: {  	[smem:$0x3FB7] =	sst s10  }
0x32: {  	s10 =	sld [smem:$0x3FB5];
	_ =	sdelay $0x3  }
0x33: {  	p0 =	seq.s32 s10, $0x1;
	s10 =	sld [smem:$0x3FB7];
	_ =	sdelay $0x3  }
0x34: {  	[smem:$0x3FB7] =	sst s10  }
0x35: {  	s10 =	sld [smem:$0x3FB6];
	_ =	sdelay $0x3  }
0x36: {  	p1 =	seq.s32 s10, $0x1;
	s10 =	sld [smem:$0x3FB7];
	_ =	sdelay $0x3  }
0x37: {  	[smem:$0x3FB7] =	sst s10  }
0x38: {  	s10 =	sld [smem:$0x3FB8]  }
0x39: {  	_ = 	snop;
	(pc) =	sbr.ind lr, $3  }
0x3a: {  	_ = 	snop  }
0x3b: {  	_ = 	snop  }
0x3c: {  	p2 =	seq.s32 s10, $0x1;
	s10 =	sld [smem:$0x3FB7]  }
0x3d: {  	_ =	shalt  }
0x3e: {  	_ =	shalt  }
0x3f: {  	_ =	shalt  }
0x40: {  	_ =	shalt  }
0x41: {  	_ =	shalt  }
0x42: {  	_ =	shalt  }
0x43: {  	_ =	shalt  }
0x44: {  	_ =	shalt  }
0x45: {  	_ =	shalt  }
0x46: {  	_ =	shalt  }
0x47: {  	_ =	shalt  }
0x48: {  	_ =	shalt  }
0x49: {  	_ =	shalt  }
0x4a: {  	_ =	shalt  }
0x4b: {  	_ =	shalt  }
0x4c: {  	_ =	shalt  }
0x4d: {  	_ =	shalt  }
0x4e: {  	_ =	shalt  }
0x4f: {  	_ =	shalt  }
0x50: {  	_ =	shalt  }
0x51: {  	_ =	shalt  }
0x52: {  	_ =	shalt  }
0x53: {  	_ =	shalt  }
0x54: {  	_ =	shalt  }
0x55: {  	_ =	shalt  }
0x56: {  	_ =	shalt  }
0x57: {  	_ =	shalt  }
0x58: {  	_ =	shalt  }
0x59: {  	_ =	shalt  }
0x5a: {  	_ =	shalt  }
0x5b: {  	_ =	shalt  }
0x5c: {  	_ =	shalt  }
0x5d: {  	_ =	shalt  }
0x5e: {  	_ =	shalt  }
0x5f: {  	_ =	shalt  }
0x60: {  	_ =	shalt  }
0x61: {  	_ =	shalt  }
0x62: {  	_ =	shalt  }
0x63: {  	_ =	shalt  }
0x64: {  	_ =	shalt  }
0x65: {  	_ =	shalt  }
0x66: {  	_ =	shalt  }
0x67: {  	_ =	shalt  }
0x68: {  	_ =	shalt  }
0x69: {  	_ =	shalt  }
0x6a: {  	_ =	shalt  }
0x6b: {  	_ =	shalt  }
0x6c: {  	_ =	shalt  }
0x6d: {  	_ =	shalt  }
0x6e: {  	_ =	shalt  }
0x6f: {  	_ =	shalt  }
0x70: {  	_ =	shalt  }
0x71: {  	_ =	shalt  }
0x72: {  	_ =	shalt  }
0x73: {  	_ =	shalt  }
0x74: {  	_ =	shalt  }
0x75: {  	_ =	shalt  }
0x76: {  	_ =	shalt  }
0x77: {  	_ =	shalt  }
0x78: {  	_ =	shalt  }
0x79: {  	_ =	shalt  }
0x7a: {  	_ =	shalt  }
0x7b: {  	_ =	shalt  }
0x7c: {  	_ =	shalt  }
0x7d: {  	_ =	shalt  }
0x7e: {  	_ =	shalt  }
0x7f: {  	_ =	shalt  }
0x80: {  	_ =	shalt  }
0x81: {  	_ =	shalt  }
0x82: {  	_ =	shalt  }
0x83: {  	_ =	shalt  }
0x84: {  	_ =	shalt  }
0x85: {  	_ =	shalt  }
0x86: {  	_ =	shalt  }
0x87: {  	_ =	shalt  }
.Lfunc_end0:
.L_simem_size_0:
called_computation.1_lowered:
.L_overlay_start_0:
0x88: {  	s2 =	sld [smem:$0x3FD9]  }
0x89: {  	s3 =	sld [smem:$0x3FFE];
	_ =	sdelay $0x1  }
0x8a: {  	s1 =	srdreg.scid  }
0x8b: {  	s0 =	sand.u32 $0x1, s1  }
0x8c: {  	s17 =	sshll.u32 s0, $0xA;
	s2 =	sadd.s32 s3, s2  }
0x8d: {  	s2 =	sadd.s32 s2, s17  }
0x8e: {  	[smem:$0x3FC3] =	sst s2  }
0x8f: {  	_ = 	snop  }
0x90: {  	s2 =	sld [smem:$0x3FD0];
	(tm) =	ssettm $0x1  }
0x91: {  	s18 =	sld [smem:$0x3FFB];
	_ =	sdelay $0x3  }
0x92: {  	_ =	strace s18  }
0x93: {  	s3 =	sld [smem:$0x3FFC];
	_ =	sdelay $0x3  }
0x94: {  	_ =	strace s3  }
0x95: {  	s3 =	sld [smem:$0x3FFD];
	_ =	sdelay $0x3  }
0x96: {  	_ =	strace s3  }
0x97: {  	_ =	strace $0x8FFFFFFF  }
0x98: {  	s19 =	sld [smem:$0x3FDB];
	_ =	sdelay $0x1  }
0x99: {  	s4 =	simm.s32 $_scs_section_size  }
0x9a: {  	s5 =	simm.s32 $_size__tile_overlayer_lowered;
	s6 =	simm.s32 $_tile_overlayer_lowered  }
0x9b: {  	s22 =	simm.s32 $0x1BFF;
	s21 =	sshll.u32 s6, $0x1;
	s3 =	sadd.s32 s4, s19  }
0x9c: {  	s7 =	simm.s32 $0x0;
	s20 =	sshll.u32 s5, $0x1;
	s5 =	sadd.s32 s21, s3  }
0x9d: {  	[timem:s7], [sflag:s22] =	dma.local [hbm:s5], s20  }
0x9e: {  	_ =	swait.ge [sflag:s22], s20  }
0x9f: {  	s4 =	ssub.s32 $0x0, s20;
	[sflag:s22] =	ssyncset.done $0x0  }
0xa0: {  	[sflag:s22] =	ssyncadd.s32 s4;
	_ =	sdelay $0x1  }
0xa1: {  	s23 =	simm.s32 $0x1B8B  }
0xa2: {  	_ =	swait.ge [sflag:s23], $0x1  }
0xa3: {  	[sflag:s23] =	ssyncset.done $0x0  }
0xa4: {  	s25 =	simm.s32 $0x1B8E;
	s24 =	sld [smem:$0x3FFE];
	[sflag:s23] =	ssyncadd.s32 $0xFFFFFFFF  }
0xa5: {  	s26 =	simm.s32 $execute0_lowered;
	[smem:$0x3FD2] =	sst s25  }
0xa6: {  	s5 =	sshll.u32 s26, $0x1;
	_ =	strace $0x80000049;
	[dreg:$0x1] =	wrdreg $0xFFFFFFFF  }
0xa7: {  	s28 =	simm.s32 $_size_execute0_lowered;
	s3 =	sadd.s32 s3, s5;
	[dreg:$0x0] =	wrdreg $0x0  }
0xa8: {  	s5 =	sshll.u32 s28, $0x1;
	[dreg:$0x2] =	wrdreg s3  }
0xa9: {  	[dreg:$0x3] =	wrdreg s5  }
0xaa: {  	[dreg:$0x4] =	wrdreg $0xC0  }
0xab: {  	_ =	task [dreg:s7], $0x5FFFF  }
0xac: {  	[dreg:$0x1] =	wrdreg $0xFFFFFFFF  }
0xad: {  	[dreg:$0x0] =	wrdreg $0x60  }
0xae: {  	[dreg:$0x2] =	wrdreg s24  }
0xaf: {  	[dreg:$0x3] =	wrdreg s2  }
0xb0: {  	[dreg:$0x4] =	wrdreg $0x82000  }
0xb1: {  	[dreg:$0x5] =	wrdreg $0x9  }
0xb2: {  	_ =	task.clear_ibuf [dreg:s7], $0x6FFFF;
	_ =	strace $0x90000049  }
0xb3: {  	s29 =	simm.s32 $0x9;
	_ =	strace $0x8000004B  }
0xb4: {  	_ =	swait.ge [sflag:s29], $0x1  }
0xb5: {  	[sflag:s29] =	ssyncadd.s32 $0xFFFFFFFF  }
0xb6: {  	_ =	strace $0x9000004B  }
0xb7: {  	_ =	sfence  }
0xb8: {  	s30 =	sld [smem:$0x0];
	_ =	sdelay $0x2  }
0xb9: {  	s31 =	sshll.u32 s1, $0xD;
	s1 =	sshrl.u32 s1, $0x2  }
0xba: {  	s3 =	sand.u32 $0x4000, s31;
	s1 =	sadd.s32 s1, s30  }
0xbb: {  	s0 =	sor.u32 s3, s0;
	s1 =	sshll.u32 s1, $0x11  }
0xbc: {  	s0 =	sor.u32 s1, s0  }
0xbd: {  	s0 =	sadd.s32 $0x8F2B, s0  }
0xbe: {  	[sflag:s0] =	ssyncadd.remote.s32 $0x1  }
0xbf: {  	_ =	sfence.sel $0xFFFF  }
0xc0: {  	[dreg:$0x0] =	wrdreg $0xFFFFFFFF;
	(pc) =	sbr.abs _section_cstart, $3  }
0xc1: {  	[dreg:$0x1] =	wrdreg $0xFFFFFFFF  }
0xc2: {  	_ =	task.clear_ibuf [dreg:s7], $0x2FFFF;
	_ =	strace $0x9FFFFFFF  }
0xc3: {  	(tm) =	ssettm $0x7FFFFFFF  }
tec
execute0_lowered:
.L_overlay_start_1:
0x0: {  	(tag) =	ssettag $0x1  }
0x1: {  	s5 =	rddreg [dreg:$0x0]  }
0x2: {  	s2 =	rddreg [dreg:$0x1]  }
0x3: {  	s3 =	rddreg [dreg:$0x2]  }
0x4: {  	s0 =	srdreg.scid;
	s1 =	rddreg [dreg:$0x3];
	s4 =	simm.s32 $0x0  }
0x5: {  	s19 =	simm.s32 $0x8080;
	s20 =	simm.s32 $0x80;
	s21 =	simm.s32 $0x8100  }
0x6: {  	s22 =	simm.s32 $0x8180;
	s23 =	simm.s32 $0x4000;
	s8 =	sand.u32 $0x1, s0  }
0x7: {  	s24 =	simm.s32 $0x1;
	s0 =	stileid.u32;
	s6 =	smul.u32 $0x140000, s8  }
0x8: {  	s25 =	simm.s32 $0x2;
	[smem:$0x7FF] =	sst s4;
	s7 =	smul.u32 $0x14000, s0  }
0x9: {  	s15 =	sadd.s32 $0xBE00, s5;
	s16 =	sadd.s32 $0x2000, s5;
	s26 =	smul.u32 $0x50000, s0  }
0xa: {  	_ =	strace $0x8000004A;
	s28 =	ssub.s32 $0x2, s8;
	s11 =	smul.u32 $0x5F, s0  }
0xb: {  	s10 =	smul.u32 $0x3F, s0;
	p0 =	seq.s32 s8, $0x0;
	s30 =	sshrl.u32 s28, $0x1  }
0xc: {  	s6 =	sadd.s32 s7, s6;
	s29 =	sshrl.u32 s26, $0x2;
	s14 =	ssub.s32 s28, s30  }
0xd: {  	s12 =	sadd.s32 $0x5E, s11;
	s17 =	sadd.s32 $0x62E, s10;
	s18 =	sadd.s32 $0x5F0, s10  }
0xe: {  	s10 =	simm.s32 $0x2F;
	s26 =	simm.s32 $0x0;
	s6 =	sshrl.u32 s6, $0x3  }
0xf: {  	s17 =	smov.u32 @p0 s12;
	s18 =	smov.u32 @p0 s11;
	s10 =	simm.s32 @!p0 $0x1F  }
0x10: {  	s14 =	smax.u32 s14, $0x1;
	s13 =	sadd.s32 s6, s5;
	s5 =	sadd.s32 s29, s3  }
0x11: {  	s12 =	sshll.u32 s17, $0x4;
	s31 =	sshll.u32 s18, $0x4;
	s18 =	simm.s32 $0x8000  }
0x12: {  	s6 =	sadd.s32 $0x4000, s5;
	s7 =	sadd.s32 $0x8000, s5;
	s8 =	sadd.s32 $0xC000, s5  }
0x13: {  	s9 =	sadd.s32 $0x10000, s5;
	s11 =	sadd.s32 s15, s12;
	s12 =	sadd.s32 s16, s12  }
0x14: {  	s13 =	sadd.s32 $0x65C00, s13;
	s16 =	sadd.s32 s31, s16;
	s17 =	sadd.s32 s31, s15  }
0x15: {  	v0 =	vimm.f32 $0.0e+00;
	s15 =	sadd.s32 $0x10, s16;
	s16 =	sadd.s32 $0x10, s17;
	s17 =	simm.s32 $0x3  }
.LBB2_1:
0x16: {  	s28 =	simm.s32 $0x0;
	s29 =	simm.s32 $0x200  }
.LBB2_2:
0x17: {  	p0 =	sne.s32 s29, $0xFE00;
	[tilespmem:s28+$0x70] =	vst v0  }
0x18: {  	[tilespmem:s28+$0x0] =	vst v0  }
0x19: {  	[tilespmem:s28+$0x10] =	vst v0  }
.Ltmp0:
0x1a: {  	[tilespmem:s28+$0x20] =	vst v0;
	(pc) =	sbr.rel @p0 .LBB2_2-.Ltmp0, $4  }
0x1b: {  	[tilespmem:s28+$0x30] =	vst v0  }
0x1c: {  	[tilespmem:s28+$0x40] =	vst v0  }
0x1d: {  	[tilespmem:s28+$0x50] =	vst v0  }
0x1e: {  	[tilespmem:s28+$0x60] =	vst v0;
	s28 =	sshra.s32 s29, $0x2;
	s29 =	sadd.s32 $0x200, s29  }
0x1f: {  	[tilespmem:s28+$0x70] =	vst v0  }
0x20: {  	[tilespmem:s28+$0x0] =	vst v0  }
0x21: {  	[tilespmem:s28+$0x10] =	vst v0  }
0x22: {  	[tilespmem:s28+$0x20] =	vst v0  }
0x23: {  	[tilespmem:s28+$0x30] =	vst v0  }
0x24: {  	[tilespmem:s28+$0x40] =	vst v0  }
0x25: {  	[tilespmem:s28+$0x50] =	vst v0  }
0x26: {  	[tilespmem:s28+$0x60] =	vst v0  }
0x27: {  	[spmem:s5] =	stream.linear.scatter [tilespmem:s4], [sflag:$0x3], $0x4000, $0x38;
	[tilespmem:$0x1C200] =	vst v63  }
0x28: {  	_ =	swait.ge [sflag:s17], $0x4000  }
0x29: {  	[sflag:s17] =	ssyncset.done $0x0  }
0x2a: {  	[sflag:s17] =	ssyncadd.s32 $0xFFFFC000  }
0x2b: {  	[spmem:s6] =	stream.linear.scatter [tilespmem:s4], [sflag:$0x3], $0x4000, $0x38;
	[tilespmem:$0x1C200] =	vst v63  }
0x2c: {  	_ =	swait.ge [sflag:s17], $0x4000  }
0x2d: {  	[sflag:s17] =	ssyncset.done $0x0  }
0x2e: {  	[sflag:s17] =	ssyncadd.s32 $0xFFFFC000  }
0x2f: {  	[spmem:s7] =	stream.linear.scatter [tilespmem:s4], [sflag:$0x3], $0x4000, $0x38;
	[tilespmem:$0x1C200] =	vst v63  }
0x30: {  	_ =	swait.ge [sflag:s17], $0x4000  }
0x31: {  	[sflag:s17] =	ssyncset.done $0x0  }
0x32: {  	[sflag:s17] =	ssyncadd.s32 $0xFFFFC000  }
0x33: {  	[spmem:s8] =	stream.linear.scatter [tilespmem:s4], [sflag:$0x3], $0x4000, $0x38;
	[tilespmem:$0x1C200] =	vst v63  }
0x34: {  	_ =	swait.ge [sflag:s17], $0x4000  }
0x35: {  	[sflag:s17] =	ssyncset.done $0x0  }
0x36: {  	p1 =	sne.s32 s10, $0x1;
	[sflag:s17] =	ssyncadd.s32 $0xFFFFC000  }
0x37: {  	[spmem:s9] =	stream.linear.scatter [tilespmem:s4], [sflag:$0x3], $0x4000, $0x38;
	[tilespmem:$0x1C200] =	vst v63  }
.Ltmp1:
0x38: {  	_ =	swait.ge [sflag:s17], $0x4000;
	(pc) =	sbr.rel @!p1 .LBB2_7-.Ltmp1, $4  }
0x39: {  	[sflag:s17] =	ssyncset.done $0x0  }
0x3a: {  	[sflag:s17] =	ssyncadd.s32 $0xFFFFC000  }
0x3b: {  	s30 =	sadd.s32 $0xFFFFFFFF, s10;
	[bflag:$0x0] =	sbarrier.arrive $0xFFFF  }
0x3c: {  	p0 =	por $0x0, $0x0;
	s28 =	smov.u32 s16;
	s29 =	smov.u32 s15  }
0x3d: {  	s28 =	sadd.s32 $0xFFFFFFF0, s16  }
0x3e: {  	[tilespmem:s18], [sflag:$0x3] =	stream.linear.gather [hbm4b:s28+s4], $0x80, $0x38;
	[tilespmem:$0x1C200] =	vst v63  }
0x3f: {  	_ =	swait.ge [sflag:s17], $0x80  }
0x40: {  	[sflag:s17] =	ssyncset.done $0x0  }
0x41: {  	s28 =	sadd.s32 $0xFFFFFFF0, s15;
	[sflag:s17] =	ssyncadd.s32 $0xFFFFFF80  }
0x42: {  	[tilespmem:s19], [sflag:$0x3] =	stream.linear.gather [hbm4b:s28+s4], $0x80, $0x38;
	[tilespmem:$0x1C200] =	vst v63  }
0x43: {  	_ =	swait.ge [sflag:s17], $0x80  }
0x44: {  	[sflag:s17] =	ssyncset.done $0x0  }
0x45: {  	[sflag:s17] =	ssyncadd.s32 $0xFFFFFF80  }
0x46: {  	[tilespmem:s4], [sflag:$0x1] =	stream.indirect.gather [hbm4b:s2+s20], $0x80, s18, s20, $0xb8;
	[tilespmem:$0x1C200] =	vst v63  }
0x47: {  	_ = 	snop  }
0x48: {  	[tilespmem:s21], [sflag:$0x3] =	stream.linear.gather [hbm4b:s16+s4], $0x80, $0x38;
	[tilespmem:$0x1C200] =	vst v63  }
0x49: {  	_ =	swait.ge [sflag:s17], $0x80  }
0x4a: {  	[sflag:s17] =	ssyncset.done $0x0  }
0x4b: {  	[sflag:s17] =	ssyncadd.s32 $0xFFFFFF80  }
0x4c: {  	[tilespmem:s22], [sflag:$0x3] =	stream.linear.gather [hbm4b:s15+s4], $0x80, $0x38;
	[tilespmem:$0x1C200] =	vst v63  }
0x4d: {  	_ =	swait.ge [sflag:s17], $0x80  }
0x4e: {  	[sflag:s17] =	ssyncset.done $0x0  }
0x4f: {  	[sflag:s17] =	ssyncadd.s32 $0xFFFFFF80  }
0x50: {  	[tilespmem:s23], [sflag:$0x2] =	stream.indirect.gather [hbm4b:s2+s20], $0x80, s21, s20, $0xb8;
	[tilespmem:$0x1C200] =	vst v63  }
0x51: {  	_ =	swait.ge [sflag:s24], $0x4000  }
0x52: {  	[sflag:s24] =	ssyncset.done $0x0  }
0x53: {  	[sflag:s24] =	ssyncadd.s32 $0xFFFFC000  }
0x54: {  	[spmem:s3] =	stream.indirect.scatter.add.f32 [tilespmem:s4], [sflag:$0x3], $0x80, s19, s20, $0xb8;
	[tilespmem:$0x1C200] =	vst v63  }
0x55: {  	_ =	swait.ge [sflag:s17], $0x4000  }
0x56: {  	[sflag:s17] =	ssyncset.done $0x0  }
0x57: {  	[sflag:s17] =	ssyncadd.s32 $0xFFFFC000  }
0x58: {  	p1 =	sne.s32 s30, $0x1;
	_ =	swait.ge [sflag:s25], $0x4000  }
.Ltmp2:
0x59: {  	[sflag:s25] =	ssyncset.done $0x0;
	(pc) =	sbr.rel @!p1 .LBB2_5-.Ltmp2, $4  }
0x5a: {  	[sflag:s25] =	ssyncadd.s32 $0xFFFFC000  }
0x5b: {  	[spmem:s3] =	stream.indirect.scatter.add.f32 [tilespmem:s23], [sflag:$0x3], $0x80, s22, s20, $0xb8;
	[tilespmem:$0x1C200] =	vst v63  }
0x5c: {  	s30 =	sadd.s32 $0xFFFFFFFF, s30;
	p0 =	por $0x1, $0x1;
	_ =	swait.ge [sflag:s17], $0x4000  }
0x5d: {  	s29 =	smov.u32 s15;
	s28 =	sadd.s32 $0x20, s16;
	[sflag:s17] =	ssyncset.done $0x0  }
.LBB2_6:
0x5e: {  	s31 =	sadd.s32 $0xFFFFFFF0, s28;
	[sflag:s17] =	ssyncadd.s32 $0xFFFFC000;
	s29 =	sadd.s32 $0x20, s29  }
0x5f: {  	[tilespmem:s18], [sflag:$0x3] =	stream.linear.gather [hbm4b:s31+s4], $0x80, $0x38;
	[tilespmem:$0x1C200] =	vst v63  }
0x60: {  	p1 =	sne.s32 s30, $0x1;
	s30 =	sadd.s32 $0xFFFFFFFF, s30;
	_ =	swait.ge [sflag:s17], $0x80  }
0x61: {  	[sflag:s17] =	ssyncset.done $0x0  }
0x62: {  	s31 =	sadd.s32 $0xFFFFFFF0, s29;
	[sflag:s17] =	ssyncadd.s32 $0xFFFFFF80  }
0x63: {  	[tilespmem:s19], [sflag:$0x3] =	stream.linear.gather [hbm4b:s31+s4], $0x80, $0x38;
	[tilespmem:$0x1C200] =	vst v63  }
0x64: {  	_ =	swait.ge [sflag:s17], $0x80  }
0x65: {  	[sflag:s17] =	ssyncset.done $0x0  }
0x66: {  	[sflag:s17] =	ssyncadd.s32 $0xFFFFFF80  }
0x67: {  	[tilespmem:s4], [sflag:$0x1] =	stream.indirect.gather [hbm4b:s2+s20], $0x80, s18, s20, $0xb8;
	[tilespmem:$0x1C200] =	vst v63  }
0x68: {  	_ = 	snop  }
0x69: {  	[tilespmem:s21], [sflag:$0x3] =	stream.linear.gather [hbm4b:s28+s4], $0x80, $0x38;
	[tilespmem:$0x1C200] =	vst v63  }
0x6a: {  	_ =	swait.ge [sflag:s17], $0x80  }
0x6b: {  	[sflag:s17] =	ssyncset.done $0x0  }
0x6c: {  	[sflag:s17] =	ssyncadd.s32 $0xFFFFFF80  }
0x6d: {  	[tilespmem:s22], [sflag:$0x3] =	stream.linear.gather [hbm4b:s29+s4], $0x80, $0x38;
	[tilespmem:$0x1C200] =	vst v63  }
0x6e: {  	_ =	swait.ge [sflag:s17], $0x80  }
0x6f: {  	[sflag:s17] =	ssyncset.done $0x0  }
0x70: {  	[sflag:s17] =	ssyncadd.s32 $0xFFFFFF80  }
0x71: {  	[tilespmem:s23], [sflag:$0x2] =	stream.indirect.gather [hbm4b:s2+s20], $0x80, s21, s20, $0xb8;
	[tilespmem:$0x1C200] =	vst v63  }
0x72: {  	_ =	swait.ge [sflag:s24], $0x4000  }
0x73: {  	[sflag:s24] =	ssyncset.done $0x0  }
0x74: {  	[sflag:s24] =	ssyncadd.s32 $0xFFFFC000  }
0x75: {  	[spmem:s3] =	stream.indirect.scatter.add.f32 [tilespmem:s4], [sflag:$0x3], $0x80, s19, s20, $0xb8;
	[tilespmem:$0x1C200] =	vst v63  }
0x76: {  	_ =	swait.ge [sflag:s17], $0x4000  }
0x77: {  	[sflag:s17] =	ssyncset.done $0x0  }
0x78: {  	[sflag:s17] =	ssyncadd.s32 $0xFFFFC000  }
0x79: {  	_ =	swait.ge [sflag:s25], $0x4000  }
.Ltmp3:
0x7a: {  	[sflag:s25] =	ssyncset.done $0x0;
	(pc) =	sbr.rel @p1 .LBB2_6-.Ltmp3, $4  }
0x7b: {  	[sflag:s25] =	ssyncadd.s32 $0xFFFFC000  }
0x7c: {  	[spmem:s3] =	stream.indirect.scatter.add.f32 [tilespmem:s23], [sflag:$0x3], $0x80, s22, s20, $0xb8;
	[tilespmem:$0x1C200] =	vst v63  }
0x7d: {  	_ =	swait.ge [sflag:s17], $0x4000  }
0x7e: {  	s28 =	sadd.s32 $0x20, s28;
	[sflag:s17] =	ssyncset.done $0x0  }
.LBB2_7:
0x7f: {  	s30 =	sadd.s32 $0xFFFFFFF0, s28;
	[sflag:s17] =	ssyncadd.s32 @p0 $0xFFFFC000  }
0x80: {  	[tilespmem:s18], [sflag:$0x3] =	stream.linear.gather [hbm4b:s30+s4], $0x80, $0x38;
	[tilespmem:$0x1C200] =	vst v63  }
0x81: {  	s29 =	sadd.s32 @p0 $0x20, s29;
	s30 =	smov.u32 s15;
	_ =	swait.ge [sflag:s17], $0x80  }
0x82: {  	s30 =	smov.u32 @p0 s29;
	[sflag:s17] =	ssyncset.done $0x0  }
0x83: {  	s29 =	sadd.s32 $0xFFFFFFF0, s30;
	[sflag:s17] =	ssyncadd.s32 $0xFFFFFF80  }
0x84: {  	[tilespmem:s19], [sflag:$0x3] =	stream.linear.gather [hbm4b:s29+s4], $0x80, $0x38;
	[tilespmem:$0x1C200] =	vst v63  }
0x85: {  	_ =	swait.ge [sflag:s17], $0x80  }
0x86: {  	[sflag:s17] =	ssyncset.done $0x0  }
0x87: {  	[sflag:s17] =	ssyncadd.s32 $0xFFFFFF80  }
0x88: {  	[tilespmem:s4], [sflag:$0x1] =	stream.indirect.gather [hbm4b:s2+s20], $0x80, s18, s20, $0xb8;
	[tilespmem:$0x1C200] =	vst v63  }
0x89: {  	_ = 	snop  }
0x8a: {  	[tilespmem:s21], [sflag:$0x3] =	stream.linear.gather [hbm4b:s28+s4], $0x80, $0x38;
	[tilespmem:$0x1C200] =	vst v63  }
0x8b: {  	_ =	swait.ge [sflag:s17], $0x80  }
0x8c: {  	[sflag:s17] =	ssyncset.done $0x0  }
0x8d: {  	[sflag:s17] =	ssyncadd.s32 $0xFFFFFF80  }
0x8e: {  	[tilespmem:s22], [sflag:$0x3] =	stream.linear.gather [hbm4b:s30+s4], $0x80, $0x38;
	[tilespmem:$0x1C200] =	vst v63  }
0x8f: {  	_ =	swait.ge [sflag:s17], $0x80  }
0x90: {  	[sflag:s17] =	ssyncset.done $0x0  }
0x91: {  	[sflag:s17] =	ssyncadd.s32 $0xFFFFFF80  }
0x92: {  	[tilespmem:s23], [sflag:$0x2] =	stream.indirect.gather [hbm4b:s2+s20], $0x80, s21, s20, $0xb8;
	[tilespmem:$0x1C200] =	vst v63  }
0x93: {  	_ =	swait.ge [sflag:s24], $0x4000  }
0x94: {  	[sflag:s24] =	ssyncset.done $0x0  }
0x95: {  	[sflag:s24] =	ssyncadd.s32 $0xFFFFC000  }
0x96: {  	[spmem:s3] =	stream.indirect.scatter.add.f32 [tilespmem:s4], [sflag:$0x3], $0x80, s19, s20, $0xb8;
	[tilespmem:$0x1C200] =	vst v63  }
0x97: {  	_ =	swait.ge [sflag:s17], $0x4000  }
0x98: {  	[sflag:s17] =	ssyncset.done $0x0  }
0x99: {  	[sflag:s17] =	ssyncadd.s32 $0xFFFFC000  }
0x9a: {  	_ =	swait.ge [sflag:s25], $0x4000  }
0x9b: {  	[sflag:s25] =	ssyncset.done $0x0  }
0x9c: {  	[sflag:s25] =	ssyncadd.s32 $0xFFFFC000  }
0x9d: {  	[spmem:s3] =	stream.indirect.scatter.add.f32 [tilespmem:s23], [sflag:$0x3], $0x80, s22, s20, $0xb8;
	[tilespmem:$0x1C200] =	vst v63  }
0x9e: {  	_ =	swait.ge [sflag:s17], $0x4000  }
0x9f: {  	[sflag:s17] =	ssyncset.done $0x0  }
0xa0: {  	[sflag:s17] =	ssyncadd.s32 $0xFFFFC000  }
0xa1: {  	[tilespmem:s18], [sflag:$0x3] =	stream.linear.gather [hbm4b:s11+s4], $0x80, $0x38;
	[tilespmem:$0x1C200] =	vst v63  }
0xa2: {  	_ =	swait.ge [sflag:s17], $0x80  }
0xa3: {  	[sflag:s17] =	ssyncset.done $0x0  }
0xa4: {  	[sflag:s17] =	ssyncadd.s32 $0xFFFFFF80  }
0xa5: {  	[tilespmem:s19], [sflag:$0x3] =	stream.linear.gather [hbm4b:s12+s4], $0x80, $0x38;
	[tilespmem:$0x1C200] =	vst v63  }
0xa6: {  	_ =	swait.ge [sflag:s17], $0x80  }
0xa7: {  	[sflag:s17] =	ssyncset.done $0x0  }
0xa8: {  	[sflag:s17] =	ssyncadd.s32 $0xFFFFFF80  }
0xa9: {  	[tilespmem:s4], [sflag:$0x1] =	stream.indirect.gather [hbm4b:s2+s20], $0x80, s18, s20, $0xb8;
	[tilespmem:$0x1C200] =	vst v63  }
0xaa: {  	_ =	swait.ge [sflag:s24], $0x4000  }
0xab: {  	[sflag:s24] =	ssyncset.done $0x0  }
0xac: {  	[sflag:s24] =	ssyncadd.s32 $0xFFFFC000  }
0xad: {  	[spmem:s3] =	stream.indirect.scatter.add.f32 [tilespmem:s4], [sflag:$0x3], $0x80, s19, s20, $0xb8;
	[tilespmem:$0x1C200] =	vst v63  }
0xae: {  	_ =	swait.ge [sflag:s17], $0x4000  }
0xaf: {  	s31 =	sshrl.u32 s5, $0x3;
	[sflag:s17] =	ssyncset.done $0x0  }
0xb0: {  	s26 =	sadd.s32 $0x1, s26;
	s30 =	sshll.u32 s0, $0x6;
	[sflag:s17] =	ssyncadd.s32 $0xFFFFC000  }
0xb1: {  	p0 =	sne.s32 s26, s14;
	s28 =	sor.u32 $0x1C03, s30;
	[bflag:$0x0] =	sbarrier.arrive $0xFFFF  }
0xb2: {  	[hbm:s13], [sflag:s28] =	dma.local [spmem:s31], $0x2800  }
.Ltmp4:
0xb3: {  	_ = 	snop;
	(pc) =	sbr.rel @p0 .LBB2_1-.Ltmp4, $4  }
.Ltmp5:
0xb4: {  	_ = 	snop;
	(pc) =	sbr.rel @!p0 .LBB2_8-.Ltmp5, $4  }
0xb5: {  	_ =	swait.ge [sflag:s17], $0x2800  }
0xb6: {  	[sflag:s17] =	ssyncset.done $0x0  }
0xb7: {  	[sflag:s17] =	ssyncadd.s32 $0xFFFFD800  }
0xb8: {  	_ = 	snop  }
.LBB2_5:
.Ltmp6:
0xb9: {  	(pc) =	sbr.rel .LBB2_7-.Ltmp6, $2  }
0xba: {  	_ =	sdelay $0x2  }
0xbb: {  	s29 =	smov.u32 s15  }
.LBB2_8:
0xbc: {  	_ =	sfence.sel $0x180000  }
0xbd: {  	[bflag:$0x0] =	sbarrier.arrive $0xFFFF  }
0xbe: {  	p0 =	sne.s32 s0, $0x0;
	_ =	strace $0x9000004A  }
0xbf: {  	s0 =	sadd.s32 @!p0 $0x100000, s1;
	[bflag:$0x2] =	sbarrier.arrive $0xFFFF  }
0xc0: {  	[sflag:s0] =	ssyncadd.tile.s32 @!p0 $0x1;
	_ =	shalt  }
.Lfunc_end2:
_tile_overlayer_lowered:
.L_overlay_start_2:
0xc1: {  	(tag) =	ssettag $0x2  }
0xc2: {  	s0 =	rddreg [dreg:$0x0];
	s2 =	stileid.u32  }
0xc3: {  	s1 =	rddreg [dreg:$0x1];
	p0 =	sne.s32 s2, $0x0  }
0xc4: {  	s3 =	rddreg [dreg:$0x2];
	[bflag:$0x3] =	sbarrier.arrive $0xFFFF;
	s2 =	simm.s32 @!p0 $0x1C03  }
0xc5: {  	[timem:s3], [sflag:s2] =	dma.local @!p0 [hbm:s0], s1  }
0xc6: {  	s0 =	simm.s32 @!p0 $0x3  }
0xc7: {  	_ =	swait.ge @!p0 [sflag:s0], s1  }
0xc8: {  	s1 =	ssub.s32 @!p0 $0x0, s1;
	[sflag:s0] =	ssyncset.done @!p0 $0x0  }
0xc9: {  	[sflag:s0] =	ssyncadd.s32 @!p0 s1  }
0xca: {  	[bflag:$0x3] =	sbarrier.arrive $0xFFFF  }
0xcb: {  	_ =	shalt  }

</sc_bundles>
